<compile_context>
chip_gen: v7x
topology: tpu7x:2x2x1
jax: 0.10.2.dev20260603
libtpu: 0.0.44.dev20260713+nightly
codegen_flags: <defaults>
</compile_context>

<pallas_src>
import functools

import jax
import jax.numpy as jnp
from jax import lax
from jax.experimental import pallas as pl
from jax.experimental.pallas import tpu as pltpu
from jax.experimental.pallas import tpu_sc as plsc

NC = 2
NS = 16
NW = NC * NS
CHUNK = 128
NBUF = 5
PRIME = 4
LAG = NBUF - PRIME
PAD = 128


def _build_gather(total: int, emb_dim: int):
    n_chunks = total // (NW * CHUNK)
    assert n_chunks * NW * CHUNK == total
    assert n_chunks % NBUF == 0 and n_chunks >= 2 * NBUF
    n_outer = n_chunks // NBUF
    rows_per_worker = n_chunks * CHUNK

    mesh = plsc.VectorSubcoreMesh(
        core_axis_name="c", subcore_axis_name="s",
        num_cores=NC, num_subcores=NS)

    @functools.partial(
        pl.kernel,
        out_type=jax.ShapeDtypeStruct((total, PAD), jnp.float32),
        mesh=mesh,
        scratch_types=[
            pltpu.VMEM((n_chunks, CHUNK), jnp.int32),
            pltpu.VMEM((NBUF, CHUNK, PAD), jnp.float32),
            pltpu.SemaphoreType.DMA,
            pltpu.SemaphoreType.DMA,
        ],
        compiler_params=pltpu.CompilerParams(use_tc_tiling_on_sc=True),
    )
    def emb_gather(table_hbm, idx_hbm, out_hbm, idx_v, bufs, sem_g, sem_o):
        wid = lax.axis_index("s") * NC + lax.axis_index("c")
        base = wid * rows_per_worker
        pltpu.sync_copy(idx_hbm.at[wid], idx_v)

        def gather_desc(g, b):
            return pltpu.make_async_copy(table_hbm.at[idx_v.at[g]],
                                         bufs.at[b], sem_g)

        def scatter_desc(g, b):
            return pltpu.make_async_copy(
                bufs.at[b],
                out_hbm.at[pl.ds(base + g * CHUNK, CHUNK)], sem_o)

        for b in range(PRIME):
            gather_desc(b, b).start()

        def step(t, b, first, last):
            gather_desc(t, b).wait()
            scatter_desc(t, b).start()
            if first and b < LAG:
                gather_desc(t + PRIME, (b + PRIME) % NBUF).start()
            elif not (last and b >= LAG):
                scatter_desc(t - LAG, (b - LAG) % NBUF).wait()
                gather_desc(t + PRIME, (b + PRIME) % NBUF).start()
            else:
                scatter_desc(t - LAG, (b - LAG) % NBUF).wait()

        for b in range(NBUF):
            step(b, b, True, False)

        def outer(i, carry):
            t0 = i * NBUF
            for b in range(NBUF):
                step(t0 + b, b, False, False)
            return carry

        lax.fori_loop(1, n_outer - 1, outer, 0)

        for b in range(NBUF):
            step(n_chunks - NBUF + b, b, False, True)

        for k in range(LAG):
            g = n_chunks - LAG + k
            scatter_desc(g, g % NBUF).wait()

    return emb_gather


def kernel(batch_input, lengths, embedding_table):
    del lengths
    batch, hist = batch_input.shape
    vocab, emb_dim = embedding_table.shape
    total = batch * hist
    n_chunks = total // (NW * CHUNK)
    idx = batch_input.reshape(NW, n_chunks, CHUNK).astype(jnp.int32)
    table_padded = jnp.pad(embedding_table, ((0, 0), (0, PAD - emb_dim)))
    out = _build_gather(total, emb_dim)(table_padded, idx)
    return out[:, :emb_dim].reshape(batch, hist, emb_dim)

# --- scband reference (transcript-rebuilt; emitter-appended) ---
"""Pipeline reference for scband-encoder-8744553415023 (READ-ONLY COPY).

The authoritative reference and input builder live on the scoring server;
editing this copy changes nothing except your own understanding.
"""

import jax, jax.numpy as jnp
import numpy as np

VOCAB = 1000000
EMB_DIM = 64
BATCH = 4096
HIST = 200

def setup_inputs(seed: int = 0) -> dict:
    key = jax.random.key(seed)
    k1, k2, k3 = jax.random.split(key, 3)
    batch_input = jax.random.randint(k1, (BATCH, HIST), 0, VOCAB, dtype=jnp.int64 if jax.config.jax_enable_x64 else jnp.int32)
    lengths = jax.random.randint(k2, (BATCH,), 0, HIST, dtype=jnp.int64 if jax.config.jax_enable_x64 else jnp.int32)
    embedding_table = jax.random.normal(k3, (VOCAB, EMB_DIM), dtype=jnp.float32)
    return {"batch_input": batch_input, "lengths": lengths, "embedding_table": embedding_table}

def reference(batch_input, lengths, embedding_table):
    # Faithful translation of Encoder.forward: embs = self.embedding(batch_input)
    # (lengths is accepted by the original forward but unused before the truncated body)
    embs = jnp.take(embedding_table, batch_input, axis=0)
    return embs

if __name__ == "__main__":
    import jax
    _d = setup_inputs()
    print(jax.jit(kernel)(*tuple(_d.values())))

</pallas_src>

<mosaic_0001>
#map = affine_map<(d0, d1) -> (0, 0)>
#map1 = affine_map<(d0, d1) -> (0, 0, 0)>
module attributes {stable_mosaic.version = 14 : i64} {
  func.func @emb_gather(%arg0: i32, %arg1: i32, %arg2: memref<1000000x128xf32, #tpu.memory_space<hbm>>, %arg3: memref<32x200x128xi32, #tpu.memory_space<hbm>>, %arg4: memref<819200x128xf32, #tpu.memory_space<hbm>>, %arg5: memref<200x128xi32, #tpu.memory_space<vmem>>, %arg6: memref<5x128x128xf32, #tpu.memory_space<vmem>>, %arg7: memref<!tpu.dma_semaphore, #tpu.memory_space<semaphore_mem>>, %arg8: memref<!tpu.dma_semaphore, #tpu.memory_space<semaphore_mem>>) attributes {dimension_semantics = [#tpu.dimension_semantics<core_parallel>, #tpu.dimension_semantics<subcore_parallel>], iteration_bounds = array<i64: 2, 16>, scalar_prefetch = 0 : i64, scratch_operands = 4 : i64, tpu.core_type = #tpu.core_type<sc_vector_subcore>, window_params = [{transform_indices = #map}, {transform_indices = #map1}, {transform_indices = #map}]} {
    %mul3A = arith.constant 2 : i32
    %mul3A_0 = arith.muli %arg1, %mul3A : i32
    %add3A = arith.addi %mul3A_0, %arg0 : i32
    %mul3A_1 = arith.constant 25600 : i32
    %mul3A_2 = arith.muli %add3A, %mul3A_1 : i32
    "tpu.region"() ({
      %run_scoped3A = tpu.sem_alloc : memref<!tpu.dma_semaphore, #tpu.memory_space<semaphore_mem>>
      %dma_start3A_546 = arith.constant 0 : i32
      %dma_start3A_547 = arith.constant 0 : i32
      %dma_start3A_548 = tpu.memref_slice %arg3[%add3A, %dma_start3A_546, %dma_start3A_547] : memref<32x200x128xi32, #tpu.memory_space<hbm>> -> memref<1x200x128xi32, #tpu.memory_space<hbm>>
      %dma_start3A_549 = tpu.memref_squeeze %dma_start3A_548 : memref<1x200x128xi32, #tpu.memory_space<hbm>> -> memref<200x128xi32, #tpu.memory_space<hbm>>
      %dma_start3A_550 = arith.constant 0 : i32
      %dma_start3A_551 = arith.constant 0 : i32
      %dma_start3A_552 = tpu.memref_slice %arg3[%add3A, %dma_start3A_550, %dma_start3A_551] : memref<32x200x128xi32, #tpu.memory_space<hbm>> -> memref<1x200x128xi32, #tpu.memory_space<hbm>>
      %dma_start3A_553 = tpu.memref_squeeze %dma_start3A_552 : memref<1x200x128xi32, #tpu.memory_space<hbm>> -> memref<200x128xi32, #tpu.memory_space<hbm>>
      tpu.enqueue_dma source(%dma_start3A_553 : memref<200x128xi32, #tpu.memory_space<hbm>>) target(%arg5 : memref<200x128xi32, #tpu.memory_space<vmem>>) target_semaphore(%run_scoped3A : memref<!tpu.dma_semaphore, #tpu.memory_space<semaphore_mem>>)
      %dma_wait3A_554 = arith.constant 0 : i32
      %dma_wait3A_555 = arith.constant 0 : i32
      %dma_wait3A_556 = tpu.memref_slice %arg3[%add3A, %dma_wait3A_554, %dma_wait3A_555] : memref<32x200x128xi32, #tpu.memory_space<hbm>> -> memref<1x200x128xi32, #tpu.memory_space<hbm>>
      %dma_wait3A_557 = tpu.memref_squeeze %dma_wait3A_556 : memref<1x200x128xi32, #tpu.memory_space<hbm>> -> memref<200x128xi32, #tpu.memory_space<hbm>>
      %dma_wait3A_558 = arith.constant 0 : i32
      %dma_wait3A_559 = arith.constant 0 : i32
      %dma_wait3A_560 = tpu.memref_slice %arg3[%add3A, %dma_wait3A_558, %dma_wait3A_559] : memref<32x200x128xi32, #tpu.memory_space<hbm>> -> memref<1x200x128xi32, #tpu.memory_space<hbm>>
      %dma_wait3A_561 = tpu.memref_squeeze %dma_wait3A_560 : memref<1x200x128xi32, #tpu.memory_space<hbm>> -> memref<200x128xi32, #tpu.memory_space<hbm>>
      tpu.wait_dma2 semaphore(%run_scoped3A : memref<!tpu.dma_semaphore, #tpu.memory_space<semaphore_mem>>) src(%dma_wait3A_561 : memref<200x128xi32, #tpu.memory_space<hbm>>) dst(%arg5 : memref<200x128xi32, #tpu.memory_space<vmem>>)
      tpu.yield
    }) : () -> ()
    %dma_start3A = arith.constant 0 : i32
    %dma_start3A_3 = arith.constant 0 : i32
    %dma_start3A_4 = arith.constant 0 : i32
    %dma_start3A_5 = arith.constant 0 : i32
    %dma_start3A_6 = tpu.memref_slice %arg6[%dma_start3A_3, %dma_start3A_4, %dma_start3A_5] : memref<5x128x128xf32, #tpu.memory_space<vmem>> -> memref<1x128x128xf32, #tpu.memory_space<vmem>>
    %dma_start3A_7 = tpu.memref_squeeze %dma_start3A_6 : memref<1x128x128xf32, #tpu.memory_space<vmem>> -> memref<128x128xf32, #tpu.memory_space<vmem>>
    %dma_start3A_8 = arith.constant 0 : i32
    %dma_start3A_9 = tpu.memref_slice %arg5[%dma_start3A, %dma_start3A_8] : memref<200x128xi32, #tpu.memory_space<vmem>> -> memref<1x128xi32, #tpu.memory_space<vmem>>
    %dma_start3A_10 = tpu.memref_squeeze %dma_start3A_9 : memref<1x128xi32, #tpu.memory_space<vmem>> -> memref<128xi32, #tpu.memory_space<vmem>>
    %dma_start3A_11 = arith.constant 0 : i32
    %dma_start3A_12 = arith.constant 0 : i32
    %dma_start3A_13 = tpu.memref_slice %arg2[%dma_start3A_11, %dma_start3A_12] : memref<1000000x128xf32, #tpu.memory_space<hbm>> -> memref<1000000x128xf32, #tpu.memory_space<hbm>>
    tpu.enqueue_indirect_dma source(%dma_start3A_13 : memref<1000000x128xf32, #tpu.memory_space<hbm>>) target(%dma_start3A_7 : memref<128x128xf32, #tpu.memory_space<vmem>>) offsets(%dma_start3A_10 : memref<128xi32, #tpu.memory_space<vmem>>) semaphore(%arg7 : memref<!tpu.dma_semaphore, #tpu.memory_space<semaphore_mem>>)
    %dma_start3A_14 = arith.constant 1 : i32
    %dma_start3A_15 = arith.constant 1 : i32
    %dma_start3A_16 = arith.constant 0 : i32
    %dma_start3A_17 = arith.constant 0 : i32
    %dma_start3A_18 = tpu.memref_slice %arg6[%dma_start3A_15, %dma_start3A_16, %dma_start3A_17] : memref<5x128x128xf32, #tpu.memory_space<vmem>> -> memref<1x128x128xf32, #tpu.memory_space<vmem>>
    %dma_start3A_19 = tpu.memref_squeeze %dma_start3A_18 : memref<1x128x128xf32, #tpu.memory_space<vmem>> -> memref<128x128xf32, #tpu.memory_space<vmem>>
    %dma_start3A_20 = arith.constant 0 : i32
    %dma_start3A_21 = tpu.memref_slice %arg5[%dma_start3A_14, %dma_start3A_20] : memref<200x128xi32, #tpu.memory_space<vmem>> -> memref<1x128xi32, #tpu.memory_space<vmem>>
    %dma_start3A_22 = tpu.memref_squeeze %dma_start3A_21 : memref<1x128xi32, #tpu.memory_space<vmem>> -> memref<128xi32, #tpu.memory_space<vmem>>
    %dma_start3A_23 = arith.constant 0 : i32
    %dma_start3A_24 = arith.constant 0 : i32
    %dma_start3A_25 = tpu.memref_slice %arg2[%dma_start3A_23, %dma_start3A_24] : memref<1000000x128xf32, #tpu.memory_space<hbm>> -> memref<1000000x128xf32, #tpu.memory_space<hbm>>
    tpu.enqueue_indirect_dma source(%dma_start3A_25 : memref<1000000x128xf32, #tpu.memory_space<hbm>>) target(%dma_start3A_19 : memref<128x128xf32, #tpu.memory_space<vmem>>) offsets(%dma_start3A_22 : memref<128xi32, #tpu.memory_space<vmem>>) semaphore(%arg7 : memref<!tpu.dma_semaphore, #tpu.memory_space<semaphore_mem>>)
    %dma_start3A_26 = arith.constant 2 : i32
    %dma_start3A_27 = arith.constant 2 : i32
    %dma_start3A_28 = arith.constant 0 : i32
    %dma_start3A_29 = arith.constant 0 : i32
    %dma_start3A_30 = tpu.memref_slice %arg6[%dma_start3A_27, %dma_start3A_28, %dma_start3A_29] : memref<5x128x128xf32, #tpu.memory_space<vmem>> -> memref<1x128x128xf32, #tpu.memory_space<vmem>>
    %dma_start3A_31 = tpu.memref_squeeze %dma_start3A_30 : memref<1x128x128xf32, #tpu.memory_space<vmem>> -> memref<128x128xf32, #tpu.memory_space<vmem>>
    %dma_start3A_32 = arith.constant 0 : i32
    %dma_start3A_33 = tpu.memref_slice %arg5[%dma_start3A_26, %dma_start3A_32] : memref<200x128xi32, #tpu.memory_space<vmem>> -> memref<1x128xi32, #tpu.memory_space<vmem>>
    %dma_start3A_34 = tpu.memref_squeeze %dma_start3A_33 : memref<1x128xi32, #tpu.memory_space<vmem>> -> memref<128xi32, #tpu.memory_space<vmem>>
    %dma_start3A_35 = arith.constant 0 : i32
    %dma_start3A_36 = arith.constant 0 : i32
    %dma_start3A_37 = tpu.memref_slice %arg2[%dma_start3A_35, %dma_start3A_36] : memref<1000000x128xf32, #tpu.memory_space<hbm>> -> memref<1000000x128xf32, #tpu.memory_space<hbm>>
    tpu.enqueue_indirect_dma source(%dma_start3A_37 : memref<1000000x128xf32, #tpu.memory_space<hbm>>) target(%dma_start3A_31 : memref<128x128xf32, #tpu.memory_space<vmem>>) offsets(%dma_start3A_34 : memref<128xi32, #tpu.memory_space<vmem>>) semaphore(%arg7 : memref<!tpu.dma_semaphore, #tpu.memory_space<semaphore_mem>>)
    %dma_start3A_38 = arith.constant 3 : i32
    %dma_start3A_39 = arith.constant 3 : i32
    %dma_start3A_40 = arith.constant 0 : i32
    %dma_start3A_41 = arith.constant 0 : i32
    %dma_start3A_42 = tpu.memref_slice %arg6[%dma_start3A_39, %dma_start3A_40, %dma_start3A_41] : memref<5x128x128xf32, #tpu.memory_space<vmem>> -> memref<1x128x128xf32, #tpu.memory_space<vmem>>
    %dma_start3A_43 = tpu.memref_squeeze %dma_start3A_42 : memref<1x128x128xf32, #tpu.memory_space<vmem>> -> memref<128x128xf32, #tpu.memory_space<vmem>>
    %dma_start3A_44 = arith.constant 0 : i32
    %dma_start3A_45 = tpu.memref_slice %arg5[%dma_start3A_38, %dma_start3A_44] : memref<200x128xi32, #tpu.memory_space<vmem>> -> memref<1x128xi32, #tpu.memory_space<vmem>>
    %dma_start3A_46 = tpu.memref_squeeze %dma_start3A_45 : memref<1x128xi32, #tpu.memory_space<vmem>> -> memref<128xi32, #tpu.memory_space<vmem>>
    %dma_start3A_47 = arith.constant 0 : i32
    %dma_start3A_48 = arith.constant 0 : i32
    %dma_start3A_49 = tpu.memref_slice %arg2[%dma_start3A_47, %dma_start3A_48] : memref<1000000x128xf32, #tpu.memory_space<hbm>> -> memref<1000000x128xf32, #tpu.memory_space<hbm>>
    tpu.enqueue_indirect_dma source(%dma_start3A_49 : memref<1000000x128xf32, #tpu.memory_space<hbm>>) target(%dma_start3A_43 : memref<128x128xf32, #tpu.memory_space<vmem>>) offsets(%dma_start3A_46 : memref<128xi32, #tpu.memory_space<vmem>>) semaphore(%arg7 : memref<!tpu.dma_semaphore, #tpu.memory_space<semaphore_mem>>)
    %dma_wait3A = arith.constant 0 : i32
    %dma_wait3A_50 = arith.constant 0 : i32
    %dma_wait3A_51 = arith.constant 0 : i32
    %dma_wait3A_52 = arith.constant 0 : i32
    %dma_wait3A_53 = tpu.memref_slice %arg6[%dma_wait3A_50, %dma_wait3A_51, %dma_wait3A_52] : memref<5x128x128xf32, #tpu.memory_space<vmem>> -> memref<1x128x128xf32, #tpu.memory_space<vmem>>
    %dma_wait3A_54 = tpu.memref_squeeze %dma_wait3A_53 : memref<1x128x128xf32, #tpu.memory_space<vmem>> -> memref<128x128xf32, #tpu.memory_space<vmem>>
    %dma_wait3A_55 = arith.constant 0 : i32
    %dma_wait3A_56 = tpu.memref_slice %arg5[%dma_wait3A, %dma_wait3A_55] : memref<200x128xi32, #tpu.memory_space<vmem>> -> memref<1x128xi32, #tpu.memory_space<vmem>>
    %dma_wait3A_57 = tpu.memref_squeeze %dma_wait3A_56 : memref<1x128xi32, #tpu.memory_space<vmem>> -> memref<128xi32, #tpu.memory_space<vmem>>
    %dma_wait3A_58 = arith.constant 0 : i32
    %dma_wait3A_59 = arith.constant 0 : i32
    %dma_wait3A_60 = tpu.memref_slice %arg2[%dma_wait3A_58, %dma_wait3A_59] : memref<1000000x128xf32, #tpu.memory_space<hbm>> -> memref<1000000x128xf32, #tpu.memory_space<hbm>>
    tpu.wait_indirect_dma semaphore(%arg7 : memref<!tpu.dma_semaphore, #tpu.memory_space<semaphore_mem>>) src(%dma_wait3A_60 : memref<1000000x128xf32, #tpu.memory_space<hbm>>) dst(%dma_wait3A_54 : memref<128x128xf32, #tpu.memory_space<vmem>>)
    %add3A_61 = arith.constant 0 : i32
    %add3A_62 = arith.addi %mul3A_2, %add3A_61 : i32
    %dma_start3A_63 = arith.constant 0 : i32
    %dma_start3A_64 = arith.constant 0 : i32
    %dma_start3A_65 = arith.constant 0 : i32
    %dma_start3A_66 = tpu.memref_slice %arg6[%dma_start3A_63, %dma_start3A_64, %dma_start3A_65] : memref<5x128x128xf32, #tpu.memory_space<vmem>> -> memref<1x128x128xf32, #tpu.memory_space<vmem>>
    %dma_start3A_67 = tpu.memref_squeeze %dma_start3A_66 : memref<1x128x128xf32, #tpu.memory_space<vmem>> -> memref<128x128xf32, #tpu.memory_space<vmem>>
    %dma_start3A_68 = arith.constant 0 : i32
    %dma_start3A_69 = tpu.memref_slice %arg4[%add3A_62, %dma_start3A_68] : memref<819200x128xf32, #tpu.memory_space<hbm>> -> memref<128x128xf32, #tpu.memory_space<hbm>>
    %dma_start3A_70 = arith.constant 0 : i32
    %dma_start3A_71 = tpu.memref_slice %arg4[%add3A_62, %dma_start3A_70] : memref<819200x128xf32, #tpu.memory_space<hbm>> -> memref<128x128xf32, #tpu.memory_space<hbm>>
    %dma_start3A_72 = arith.constant 0 : i32
    %dma_start3A_73 = arith.constant 0 : i32
    %dma_start3A_74 = tpu.memref_slice %arg6[%dma_start3A_63, %dma_start3A_72, %dma_start3A_73] : memref<5x128x128xf32, #tpu.memory_space<vmem>> -> memref<1x128x128xf32, #tpu.memory_space<vmem>>
    %dma_start3A_75 = tpu.memref_squeeze %dma_start3A_74 : memref<1x128x128xf32, #tpu.memory_space<vmem>> -> memref<128x128xf32, #tpu.memory_space<vmem>>
    tpu.enqueue_dma source(%dma_start3A_75 : memref<128x128xf32, #tpu.memory_space<vmem>>) target(%dma_start3A_71 : memref<128x128xf32, #tpu.memory_space<hbm>>) target_semaphore(%arg8 : memref<!tpu.dma_semaphore, #tpu.memory_space<semaphore_mem>>)
    %dma_start3A_76 = arith.constant 4 : i32
    %dma_start3A_77 = arith.constant 4 : i32
    %dma_start3A_78 = arith.constant 0 : i32
    %dma_start3A_79 = arith.constant 0 : i32
    %dma_start3A_80 = tpu.memref_slice %arg6[%dma_start3A_77, %dma_start3A_78, %dma_start3A_79] : memref<5x128x128xf32, #tpu.memory_space<vmem>> -> memref<1x128x128xf32, #tpu.memory_space<vmem>>
    %dma_start3A_81 = tpu.memref_squeeze %dma_start3A_80 : memref<1x128x128xf32, #tpu.memory_space<vmem>> -> memref<128x128xf32, #tpu.memory_space<vmem>>
    %dma_start3A_82 = arith.constant 0 : i32
    %dma_start3A_83 = tpu.memref_slice %arg5[%dma_start3A_76, %dma_start3A_82] : memref<200x128xi32, #tpu.memory_space<vmem>> -> memref<1x128xi32, #tpu.memory_space<vmem>>
    %dma_start3A_84 = tpu.memref_squeeze %dma_start3A_83 : memref<1x128xi32, #tpu.memory_space<vmem>> -> memref<128xi32, #tpu.memory_space<vmem>>
    %dma_start3A_85 = arith.constant 0 : i32
    %dma_start3A_86 = arith.constant 0 : i32
    %dma_start3A_87 = tpu.memref_slice %arg2[%dma_start3A_85, %dma_start3A_86] : memref<1000000x128xf32, #tpu.memory_space<hbm>> -> memref<1000000x128xf32, #tpu.memory_space<hbm>>
    tpu.enqueue_indirect_dma source(%dma_start3A_87 : memref<1000000x128xf32, #tpu.memory_space<hbm>>) target(%dma_start3A_81 : memref<128x128xf32, #tpu.memory_space<vmem>>) offsets(%dma_start3A_84 : memref<128xi32, #tpu.memory_space<vmem>>) semaphore(%arg7 : memref<!tpu.dma_semaphore, #tpu.memory_space<semaphore_mem>>)
    %dma_wait3A_88 = arith.constant 1 : i32
    %dma_wait3A_89 = arith.constant 1 : i32
    %dma_wait3A_90 = arith.constant 0 : i32
    %dma_wait3A_91 = arith.constant 0 : i32
    %dma_wait3A_92 = tpu.memref_slice %arg6[%dma_wait3A_89, %dma_wait3A_90, %dma_wait3A_91] : memref<5x128x128xf32, #tpu.memory_space<vmem>> -> memref<1x128x128xf32, #tpu.memory_space<vmem>>
    %dma_wait3A_93 = tpu.memref_squeeze %dma_wait3A_92 : memref<1x128x128xf32, #tpu.memory_space<vmem>> -> memref<128x128xf32, #tpu.memory_space<vmem>>
    %dma_wait3A_94 = arith.constant 0 : i32
    %dma_wait3A_95 = tpu.memref_slice %arg5[%dma_wait3A_88, %dma_wait3A_94] : memref<200x128xi32, #tpu.memory_space<vmem>> -> memref<1x128xi32, #tpu.memory_space<vmem>>
    %dma_wait3A_96 = tpu.memref_squeeze %dma_wait3A_95 : memref<1x128xi32, #tpu.memory_space<vmem>> -> memref<128xi32, #tpu.memory_space<vmem>>
    %dma_wait3A_97 = arith.constant 0 : i32
    %dma_wait3A_98 = arith.constant 0 : i32
    %dma_wait3A_99 = tpu.memref_slice %arg2[%dma_wait3A_97, %dma_wait3A_98] : memref<1000000x128xf32, #tpu.memory_space<hbm>> -> memref<1000000x128xf32, #tpu.memory_space<hbm>>
    tpu.wait_indirect_dma semaphore(%arg7 : memref<!tpu.dma_semaphore, #tpu.memory_space<semaphore_mem>>) src(%dma_wait3A_99 : memref<1000000x128xf32, #tpu.memory_space<hbm>>) dst(%dma_wait3A_93 : memref<128x128xf32, #tpu.memory_space<vmem>>)
    %add3A_100 = arith.constant 128 : i32
    %add3A_101 = arith.addi %mul3A_2, %add3A_100 : i32
    %dma_start3A_102 = arith.constant 1 : i32
    %dma_start3A_103 = arith.constant 0 : i32
    %dma_start3A_104 = arith.constant 0 : i32
    %dma_start3A_105 = tpu.memref_slice %arg6[%dma_start3A_102, %dma_start3A_103, %dma_start3A_104] : memref<5x128x128xf32, #tpu.memory_space<vmem>> -> memref<1x128x128xf32, #tpu.memory_space<vmem>>
    %dma_start3A_106 = tpu.memref_squeeze %dma_start3A_105 : memref<1x128x128xf32, #tpu.memory_space<vmem>> -> memref<128x128xf32, #tpu.memory_space<vmem>>
    %dma_start3A_107 = arith.constant 0 : i32
    %dma_start3A_108 = tpu.memref_slice %arg4[%add3A_101, %dma_start3A_107] : memref<819200x128xf32, #tpu.memory_space<hbm>> -> memref<128x128xf32, #tpu.memory_space<hbm>>
    %dma_start3A_109 = arith.constant 0 : i32
    %dma_start3A_110 = tpu.memref_slice %arg4[%add3A_101, %dma_start3A_109] : memref<819200x128xf32, #tpu.memory_space<hbm>> -> memref<128x128xf32, #tpu.memory_space<hbm>>
    %dma_start3A_111 = arith.constant 0 : i32
    %dma_start3A_112 = arith.constant 0 : i32
    %dma_start3A_113 = tpu.memref_slice %arg6[%dma_start3A_102, %dma_start3A_111, %dma_start3A_112] : memref<5x128x128xf32, #tpu.memory_space<vmem>> -> memref<1x128x128xf32, #tpu.memory_space<vmem>>
    %dma_start3A_114 = tpu.memref_squeeze %dma_start3A_113 : memref<1x128x128xf32, #tpu.memory_space<vmem>> -> memref<128x128xf32, #tpu.memory_space<vmem>>
    tpu.enqueue_dma source(%dma_start3A_114 : memref<128x128xf32, #tpu.memory_space<vmem>>) target(%dma_start3A_110 : memref<128x128xf32, #tpu.memory_space<hbm>>) target_semaphore(%arg8 : memref<!tpu.dma_semaphore, #tpu.memory_space<semaphore_mem>>)
    %add3A_115 = arith.constant 0 : i32
    %add3A_116 = arith.addi %mul3A_2, %add3A_115 : i32
    %dma_wait3A_117 = arith.constant 0 : i32
    %dma_wait3A_118 = arith.constant 0 : i32
    %dma_wait3A_119 = arith.constant 0 : i32
    %dma_wait3A_120 = tpu.memref_slice %arg6[%dma_wait3A_117, %dma_wait3A_118, %dma_wait3A_119] : memref<5x128x128xf32, #tpu.memory_space<vmem>> -> memref<1x128x128xf32, #tpu.memory_space<vmem>>
    %dma_wait3A_121 = tpu.memref_squeeze %dma_wait3A_120 : memref<1x128x128xf32, #tpu.memory_space<vmem>> -> memref<128x128xf32, #tpu.memory_space<vmem>>
    %dma_wait3A_122 = arith.constant 0 : i32
    %dma_wait3A_123 = tpu.memref_slice %arg4[%add3A_116, %dma_wait3A_122] : memref<819200x128xf32, #tpu.memory_space<hbm>> -> memref<128x128xf32, #tpu.memory_space<hbm>>
    %dma_wait3A_124 = arith.constant 0 : i32
    %dma_wait3A_125 = tpu.memref_slice %arg4[%add3A_116, %dma_wait3A_124] : memref<819200x128xf32, #tpu.memory_space<hbm>> -> memref<128x128xf32, #tpu.memory_space<hbm>>
    %dma_wait3A_126 = arith.constant 0 : i32
    %dma_wait3A_127 = arith.constant 0 : i32
    %dma_wait3A_128 = tpu.memref_slice %arg6[%dma_wait3A_117, %dma_wait3A_126, %dma_wait3A_127] : memref<5x128x128xf32, #tpu.memory_space<vmem>> -> memref<1x128x128xf32, #tpu.memory_space<vmem>>
    %dma_wait3A_129 = tpu.memref_squeeze %dma_wait3A_128 : memref<1x128x128xf32, #tpu.memory_space<vmem>> -> memref<128x128xf32, #tpu.memory_space<vmem>>
    tpu.wait_dma2 semaphore(%arg8 : memref<!tpu.dma_semaphore, #tpu.memory_space<semaphore_mem>>) src(%dma_wait3A_129 : memref<128x128xf32, #tpu.memory_space<vmem>>) dst(%dma_wait3A_125 : memref<128x128xf32, #tpu.memory_space<hbm>>)
    %dma_start3A_130 = arith.constant 5 : i32
    %dma_start3A_131 = arith.constant 0 : i32
    %dma_start3A_132 = arith.constant 0 : i32
    %dma_start3A_133 = arith.constant 0 : i32
    %dma_start3A_134 = tpu.memref_slice %arg6[%dma_start3A_131, %dma_start3A_132, %dma_start3A_133] : memref<5x128x128xf32, #tpu.memory_space<vmem>> -> memref<1x128x128xf32, #tpu.memory_space<vmem>>
    %dma_start3A_135 = tpu.memref_squeeze %dma_start3A_134 : memref<1x128x128xf32, #tpu.memory_space<vmem>> -> memref<128x128xf32, #tpu.memory_space<vmem>>
    %dma_start3A_136 = arith.constant 0 : i32
    %dma_start3A_137 = tpu.memref_slice %arg5[%dma_start3A_130, %dma_start3A_136] : memref<200x128xi32, #tpu.memory_space<vmem>> -> memref<1x128xi32, #tpu.memory_space<vmem>>
    %dma_start3A_138 = tpu.memref_squeeze %dma_start3A_137 : memref<1x128xi32, #tpu.memory_space<vmem>> -> memref<128xi32, #tpu.memory_space<vmem>>
    %dma_start3A_139 = arith.constant 0 : i32
    %dma_start3A_140 = arith.constant 0 : i32
    %dma_start3A_141 = tpu.memref_slice %arg2[%dma_start3A_139, %dma_start3A_140] : memref<1000000x128xf32, #tpu.memory_space<hbm>> -> memref<1000000x128xf32, #tpu.memory_space<hbm>>
    tpu.enqueue_indirect_dma source(%dma_start3A_141 : memref<1000000x128xf32, #tpu.memory_space<hbm>>) target(%dma_start3A_135 : memref<128x128xf32, #tpu.memory_space<vmem>>) offsets(%dma_start3A_138 : memref<128xi32, #tpu.memory_space<vmem>>) semaphore(%arg7 : memref<!tpu.dma_semaphore, #tpu.memory_space<semaphore_mem>>)
    %dma_wait3A_142 = arith.constant 2 : i32
    %dma_wait3A_143 = arith.constant 2 : i32
    %dma_wait3A_144 = arith.constant 0 : i32
    %dma_wait3A_145 = arith.constant 0 : i32
    %dma_wait3A_146 = tpu.memref_slice %arg6[%dma_wait3A_143, %dma_wait3A_144, %dma_wait3A_145] : memref<5x128x128xf32, #tpu.memory_space<vmem>> -> memref<1x128x128xf32, #tpu.memory_space<vmem>>
    %dma_wait3A_147 = tpu.memref_squeeze %dma_wait3A_146 : memref<1x128x128xf32, #tpu.memory_space<vmem>> -> memref<128x128xf32, #tpu.memory_space<vmem>>
    %dma_wait3A_148 = arith.constant 0 : i32
    %dma_wait3A_149 = tpu.memref_slice %arg5[%dma_wait3A_142, %dma_wait3A_148] : memref<200x128xi32, #tpu.memory_space<vmem>> -> memref<1x128xi32, #tpu.memory_space<vmem>>
    %dma_wait3A_150 = tpu.memref_squeeze %dma_wait3A_149 : memref<1x128xi32, #tpu.memory_space<vmem>> -> memref<128xi32, #tpu.memory_space<vmem>>
    %dma_wait3A_151 = arith.constant 0 : i32
    %dma_wait3A_152 = arith.constant 0 : i32
    %dma_wait3A_153 = tpu.memref_slice %arg2[%dma_wait3A_151, %dma_wait3A_152] : memref<1000000x128xf32, #tpu.memory_space<hbm>> -> memref<1000000x128xf32, #tpu.memory_space<hbm>>
    tpu.wait_indirect_dma semaphore(%arg7 : memref<!tpu.dma_semaphore, #tpu.memory_space<semaphore_mem>>) src(%dma_wait3A_153 : memref<1000000x128xf32, #tpu.memory_space<hbm>>) dst(%dma_wait3A_147 : memref<128x128xf32, #tpu.memory_space<vmem>>)
    %add3A_154 = arith.constant 256 : i32
    %add3A_155 = arith.addi %mul3A_2, %add3A_154 : i32
    %dma_start3A_156 = arith.constant 2 : i32
    %dma_start3A_157 = arith.constant 0 : i32
    %dma_start3A_158 = arith.constant 0 : i32
    %dma_start3A_159 = tpu.memref_slice %arg6[%dma_start3A_156, %dma_start3A_157, %dma_start3A_158] : memref<5x128x128xf32, #tpu.memory_space<vmem>> -> memref<1x128x128xf32, #tpu.memory_space<vmem>>
    %dma_start3A_160 = tpu.memref_squeeze %dma_start3A_159 : memref<1x128x128xf32, #tpu.memory_space<vmem>> -> memref<128x128xf32, #tpu.memory_space<vmem>>
    %dma_start3A_161 = arith.constant 0 : i32
    %dma_start3A_162 = tpu.memref_slice %arg4[%add3A_155, %dma_start3A_161] : memref<819200x128xf32, #tpu.memory_space<hbm>> -> memref<128x128xf32, #tpu.memory_space<hbm>>
    %dma_start3A_163 = arith.constant 0 : i32
    %dma_start3A_164 = tpu.memref_slice %arg4[%add3A_155, %dma_start3A_163] : memref<819200x128xf32, #tpu.memory_space<hbm>> -> memref<128x128xf32, #tpu.memory_space<hbm>>
    %dma_start3A_165 = arith.constant 0 : i32
    %dma_start3A_166 = arith.constant 0 : i32
    %dma_start3A_167 = tpu.memref_slice %arg6[%dma_start3A_156, %dma_start3A_165, %dma_start3A_166] : memref<5x128x128xf32, #tpu.memory_space<vmem>> -> memref<1x128x128xf32, #tpu.memory_space<vmem>>
    %dma_start3A_168 = tpu.memref_squeeze %dma_start3A_167 : memref<1x128x128xf32, #tpu.memory_space<vmem>> -> memref<128x128xf32, #tpu.memory_space<vmem>>
    tpu.enqueue_dma source(%dma_start3A_168 : memref<128x128xf32, #tpu.memory_space<vmem>>) target(%dma_start3A_164 : memref<128x128xf32, #tpu.memory_space<hbm>>) target_semaphore(%arg8 : memref<!tpu.dma_semaphore, #tpu.memory_space<semaphore_mem>>)
    %add3A_169 = arith.constant 128 : i32
    %add3A_170 = arith.addi %mul3A_2, %add3A_169 : i32
    %dma_wait3A_171 = arith.constant 1 : i32
    %dma_wait3A_172 = arith.constant 0 : i32
    %dma_wait3A_173 = arith.constant 0 : i32
    %dma_wait3A_174 = tpu.memref_slice %arg6[%dma_wait3A_171, %dma_wait3A_172, %dma_wait3A_173] : memref<5x128x128xf32, #tpu.memory_space<vmem>> -> memref<1x128x128xf32, #tpu.memory_space<vmem>>
    %dma_wait3A_175 = tpu.memref_squeeze %dma_wait3A_174 : memref<1x128x128xf32, #tpu.memory_space<vmem>> -> memref<128x128xf32, #tpu.memory_space<vmem>>
    %dma_wait3A_176 = arith.constant 0 : i32
    %dma_wait3A_177 = tpu.memref_slice %arg4[%add3A_170, %dma_wait3A_176] : memref<819200x128xf32, #tpu.memory_space<hbm>> -> memref<128x128xf32, #tpu.memory_space<hbm>>
    %dma_wait3A_178 = arith.constant 0 : i32
    %dma_wait3A_179 = tpu.memref_slice %arg4[%add3A_170, %dma_wait3A_178] : memref<819200x128xf32, #tpu.memory_space<hbm>> -> memref<128x128xf32, #tpu.memory_space<hbm>>
    %dma_wait3A_180 = arith.constant 0 : i32
    %dma_wait3A_181 = arith.constant 0 : i32
    %dma_wait3A_182 = tpu.memref_slice %arg6[%dma_wait3A_171, %dma_wait3A_180, %dma_wait3A_181] : memref<5x128x128xf32, #tpu.memory_space<vmem>> -> memref<1x128x128xf32, #tpu.memory_space<vmem>>
    %dma_wait3A_183 = tpu.memref_squeeze %dma_wait3A_182 : memref<1x128x128xf32, #tpu.memory_space<vmem>> -> memref<128x128xf32, #tpu.memory_space<vmem>>
    tpu.wait_dma2 semaphore(%arg8 : memref<!tpu.dma_semaphore, #tpu.memory_space<semaphore_mem>>) src(%dma_wait3A_183 : memref<128x128xf32, #tpu.memory_space<vmem>>) dst(%dma_wait3A_179 : memref<128x128xf32, #tpu.memory_space<hbm>>)
    %dma_start3A_184 = arith.constant 6 : i32
    %dma_start3A_185 = arith.constant 1 : i32
    %dma_start3A_186 = arith.constant 0 : i32
    %dma_start3A_187 = arith.constant 0 : i32
    %dma_start3A_188 = tpu.memref_slice %arg6[%dma_start3A_185, %dma_start3A_186, %dma_start3A_187] : memref<5x128x128xf32, #tpu.memory_space<vmem>> -> memref<1x128x128xf32, #tpu.memory_space<vmem>>
    %dma_start3A_189 = tpu.memref_squeeze %dma_start3A_188 : memref<1x128x128xf32, #tpu.memory_space<vmem>> -> memref<128x128xf32, #tpu.memory_space<vmem>>
    %dma_start3A_190 = arith.constant 0 : i32
    %dma_start3A_191 = tpu.memref_slice %arg5[%dma_start3A_184, %dma_start3A_190] : memref<200x128xi32, #tpu.memory_space<vmem>> -> memref<1x128xi32, #tpu.memory_space<vmem>>
    %dma_start3A_192 = tpu.memref_squeeze %dma_start3A_191 : memref<1x128xi32, #tpu.memory_space<vmem>> -> memref<128xi32, #tpu.memory_space<vmem>>
    %dma_start3A_193 = arith.constant 0 : i32
    %dma_start3A_194 = arith.constant 0 : i32
    %dma_start3A_195 = tpu.memref_slice %arg2[%dma_start3A_193, %dma_start3A_194] : memref<1000000x128xf32, #tpu.memory_space<hbm>> -> memref<1000000x128xf32, #tpu.memory_space<hbm>>
    tpu.enqueue_indirect_dma source(%dma_start3A_195 : memref<1000000x128xf32, #tpu.memory_space<hbm>>) target(%dma_start3A_189 : memref<128x128xf32, #tpu.memory_space<vmem>>) offsets(%dma_start3A_192 : memref<128xi32, #tpu.memory_space<vmem>>) semaphore(%arg7 : memref<!tpu.dma_semaphore, #tpu.memory_space<semaphore_mem>>)
    %dma_wait3A_196 = arith.constant 3 : i32
    %dma_wait3A_197 = arith.constant 3 : i32
    %dma_wait3A_198 = arith.constant 0 : i32
    %dma_wait3A_199 = arith.constant 0 : i32
    %dma_wait3A_200 = tpu.memref_slice %arg6[%dma_wait3A_197, %dma_wait3A_198, %dma_wait3A_199] : memref<5x128x128xf32, #tpu.memory_space<vmem>> -> memref<1x128x128xf32, #tpu.memory_space<vmem>>
    %dma_wait3A_201 = tpu.memref_squeeze %dma_wait3A_200 : memref<1x128x128xf32, #tpu.memory_space<vmem>> -> memref<128x128xf32, #tpu.memory_space<vmem>>
    %dma_wait3A_202 = arith.constant 0 : i32
    %dma_wait3A_203 = tpu.memref_slice %arg5[%dma_wait3A_196, %dma_wait3A_202] : memref<200x128xi32, #tpu.memory_space<vmem>> -> memref<1x128xi32, #tpu.memory_space<vmem>>
    %dma_wait3A_204 = tpu.memref_squeeze %dma_wait3A_203 : memref<1x128xi32, #tpu.memory_space<vmem>> -> memref<128xi32, #tpu.memory_space<vmem>>
    %dma_wait3A_205 = arith.constant 0 : i32
    %dma_wait3A_206 = arith.constant 0 : i32
    %dma_wait3A_207 = tpu.memref_slice %arg2[%dma_wait3A_205, %dma_wait3A_206] : memref<1000000x128xf32, #tpu.memory_space<hbm>> -> memref<1000000x128xf32, #tpu.memory_space<hbm>>
    tpu.wait_indirect_dma semaphore(%arg7 : memref<!tpu.dma_semaphore, #tpu.memory_space<semaphore_mem>>) src(%dma_wait3A_207 : memref<1000000x128xf32, #tpu.memory_space<hbm>>) dst(%dma_wait3A_201 : memref<128x128xf32, #tpu.memory_space<vmem>>)
    %add3A_208 = arith.constant 384 : i32
    %add3A_209 = arith.addi %mul3A_2, %add3A_208 : i32
    %dma_start3A_210 = arith.constant 3 : i32
    %dma_start3A_211 = arith.constant 0 : i32
    %dma_start3A_212 = arith.constant 0 : i32
    %dma_start3A_213 = tpu.memref_slice %arg6[%dma_start3A_210, %dma_start3A_211, %dma_start3A_212] : memref<5x128x128xf32, #tpu.memory_space<vmem>> -> memref<1x128x128xf32, #tpu.memory_space<vmem>>
    %dma_start3A_214 = tpu.memref_squeeze %dma_start3A_213 : memref<1x128x128xf32, #tpu.memory_space<vmem>> -> memref<128x128xf32, #tpu.memory_space<vmem>>
    %dma_start3A_215 = arith.constant 0 : i32
    %dma_start3A_216 = tpu.memref_slice %arg4[%add3A_209, %dma_start3A_215] : memref<819200x128xf32, #tpu.memory_space<hbm>> -> memref<128x128xf32, #tpu.memory_space<hbm>>
    %dma_start3A_217 = arith.constant 0 : i32
    %dma_start3A_218 = tpu.memref_slice %arg4[%add3A_209, %dma_start3A_217] : memref<819200x128xf32, #tpu.memory_space<hbm>> -> memref<128x128xf32, #tpu.memory_space<hbm>>
    %dma_start3A_219 = arith.constant 0 : i32
    %dma_start3A_220 = arith.constant 0 : i32
    %dma_start3A_221 = tpu.memref_slice %arg6[%dma_start3A_210, %dma_start3A_219, %dma_start3A_220] : memref<5x128x128xf32, #tpu.memory_space<vmem>> -> memref<1x128x128xf32, #tpu.memory_space<vmem>>
    %dma_start3A_222 = tpu.memref_squeeze %dma_start3A_221 : memref<1x128x128xf32, #tpu.memory_space<vmem>> -> memref<128x128xf32, #tpu.memory_space<vmem>>
    tpu.enqueue_dma source(%dma_start3A_222 : memref<128x128xf32, #tpu.memory_space<vmem>>) target(%dma_start3A_218 : memref<128x128xf32, #tpu.memory_space<hbm>>) target_semaphore(%arg8 : memref<!tpu.dma_semaphore, #tpu.memory_space<semaphore_mem>>)
    %add3A_223 = arith.constant 256 : i32
    %add3A_224 = arith.addi %mul3A_2, %add3A_223 : i32
    %dma_wait3A_225 = arith.constant 2 : i32
    %dma_wait3A_226 = arith.constant 0 : i32
    %dma_wait3A_227 = arith.constant 0 : i32
    %dma_wait3A_228 = tpu.memref_slice %arg6[%dma_wait3A_225, %dma_wait3A_226, %dma_wait3A_227] : memref<5x128x128xf32, #tpu.memory_space<vmem>> -> memref<1x128x128xf32, #tpu.memory_space<vmem>>
    %dma_wait3A_229 = tpu.memref_squeeze %dma_wait3A_228 : memref<1x128x128xf32, #tpu.memory_space<vmem>> -> memref<128x128xf32, #tpu.memory_space<vmem>>
    %dma_wait3A_230 = arith.constant 0 : i32
    %dma_wait3A_231 = tpu.memref_slice %arg4[%add3A_224, %dma_wait3A_230] : memref<819200x128xf32, #tpu.memory_space<hbm>> -> memref<128x128xf32, #tpu.memory_space<hbm>>
    %dma_wait3A_232 = arith.constant 0 : i32
    %dma_wait3A_233 = tpu.memref_slice %arg4[%add3A_224, %dma_wait3A_232] : memref<819200x128xf32, #tpu.memory_space<hbm>> -> memref<128x128xf32, #tpu.memory_space<hbm>>
    %dma_wait3A_234 = arith.constant 0 : i32
    %dma_wait3A_235 = arith.constant 0 : i32
    %dma_wait3A_236 = tpu.memref_slice %arg6[%dma_wait3A_225, %dma_wait3A_234, %dma_wait3A_235] : memref<5x128x128xf32, #tpu.memory_space<vmem>> -> memref<1x128x128xf32, #tpu.memory_space<vmem>>
    %dma_wait3A_237 = tpu.memref_squeeze %dma_wait3A_236 : memref<1x128x128xf32, #tpu.memory_space<vmem>> -> memref<128x128xf32, #tpu.memory_space<vmem>>
    tpu.wait_dma2 semaphore(%arg8 : memref<!tpu.dma_semaphore, #tpu.memory_space<semaphore_mem>>) src(%dma_wait3A_237 : memref<128x128xf32, #tpu.memory_space<vmem>>) dst(%dma_wait3A_233 : memref<128x128xf32, #tpu.memory_space<hbm>>)
    %dma_start3A_238 = arith.constant 7 : i32
    %dma_start3A_239 = arith.constant 2 : i32
    %dma_start3A_240 = arith.constant 0 : i32
    %dma_start3A_241 = arith.constant 0 : i32
    %dma_start3A_242 = tpu.memref_slice %arg6[%dma_start3A_239, %dma_start3A_240, %dma_start3A_241] : memref<5x128x128xf32, #tpu.memory_space<vmem>> -> memref<1x128x128xf32, #tpu.memory_space<vmem>>
    %dma_start3A_243 = tpu.memref_squeeze %dma_start3A_242 : memref<1x128x128xf32, #tpu.memory_space<vmem>> -> memref<128x128xf32, #tpu.memory_space<vmem>>
    %dma_start3A_244 = arith.constant 0 : i32
    %dma_start3A_245 = tpu.memref_slice %arg5[%dma_start3A_238, %dma_start3A_244] : memref<200x128xi32, #tpu.memory_space<vmem>> -> memref<1x128xi32, #tpu.memory_space<vmem>>
    %dma_start3A_246 = tpu.memref_squeeze %dma_start3A_245 : memref<1x128xi32, #tpu.memory_space<vmem>> -> memref<128xi32, #tpu.memory_space<vmem>>
    %dma_start3A_247 = arith.constant 0 : i32
    %dma_start3A_248 = arith.constant 0 : i32
    %dma_start3A_249 = tpu.memref_slice %arg2[%dma_start3A_247, %dma_start3A_248] : memref<1000000x128xf32, #tpu.memory_space<hbm>> -> memref<1000000x128xf32, #tpu.memory_space<hbm>>
    tpu.enqueue_indirect_dma source(%dma_start3A_249 : memref<1000000x128xf32, #tpu.memory_space<hbm>>) target(%dma_start3A_243 : memref<128x128xf32, #tpu.memory_space<vmem>>) offsets(%dma_start3A_246 : memref<128xi32, #tpu.memory_space<vmem>>) semaphore(%arg7 : memref<!tpu.dma_semaphore, #tpu.memory_space<semaphore_mem>>)
    %dma_wait3A_250 = arith.constant 4 : i32
    %dma_wait3A_251 = arith.constant 4 : i32
    %dma_wait3A_252 = arith.constant 0 : i32
    %dma_wait3A_253 = arith.constant 0 : i32
    %dma_wait3A_254 = tpu.memref_slice %arg6[%dma_wait3A_251, %dma_wait3A_252, %dma_wait3A_253] : memref<5x128x128xf32, #tpu.memory_space<vmem>> -> memref<1x128x128xf32, #tpu.memory_space<vmem>>
    %dma_wait3A_255 = tpu.memref_squeeze %dma_wait3A_254 : memref<1x128x128xf32, #tpu.memory_space<vmem>> -> memref<128x128xf32, #tpu.memory_space<vmem>>
    %dma_wait3A_256 = arith.constant 0 : i32
    %dma_wait3A_257 = tpu.memref_slice %arg5[%dma_wait3A_250, %dma_wait3A_256] : memref<200x128xi32, #tpu.memory_space<vmem>> -> memref<1x128xi32, #tpu.memory_space<vmem>>
    %dma_wait3A_258 = tpu.memref_squeeze %dma_wait3A_257 : memref<1x128xi32, #tpu.memory_space<vmem>> -> memref<128xi32, #tpu.memory_space<vmem>>
    %dma_wait3A_259 = arith.constant 0 : i32
    %dma_wait3A_260 = arith.constant 0 : i32
    %dma_wait3A_261 = tpu.memref_slice %arg2[%dma_wait3A_259, %dma_wait3A_260] : memref<1000000x128xf32, #tpu.memory_space<hbm>> -> memref<1000000x128xf32, #tpu.memory_space<hbm>>
    tpu.wait_indirect_dma semaphore(%arg7 : memref<!tpu.dma_semaphore, #tpu.memory_space<semaphore_mem>>) src(%dma_wait3A_261 : memref<1000000x128xf32, #tpu.memory_space<hbm>>) dst(%dma_wait3A_255 : memref<128x128xf32, #tpu.memory_space<vmem>>)
    %add3A_262 = arith.constant 512 : i32
    %add3A_263 = arith.addi %mul3A_2, %add3A_262 : i32
    %dma_start3A_264 = arith.constant 4 : i32
    %dma_start3A_265 = arith.constant 0 : i32
    %dma_start3A_266 = arith.constant 0 : i32
    %dma_start3A_267 = tpu.memref_slice %arg6[%dma_start3A_264, %dma_start3A_265, %dma_start3A_266] : memref<5x128x128xf32, #tpu.memory_space<vmem>> -> memref<1x128x128xf32, #tpu.memory_space<vmem>>
    %dma_start3A_268 = tpu.memref_squeeze %dma_start3A_267 : memref<1x128x128xf32, #tpu.memory_space<vmem>> -> memref<128x128xf32, #tpu.memory_space<vmem>>
    %dma_start3A_269 = arith.constant 0 : i32
    %dma_start3A_270 = tpu.memref_slice %arg4[%add3A_263, %dma_start3A_269] : memref<819200x128xf32, #tpu.memory_space<hbm>> -> memref<128x128xf32, #tpu.memory_space<hbm>>
    %dma_start3A_271 = arith.constant 0 : i32
    %dma_start3A_272 = tpu.memref_slice %arg4[%add3A_263, %dma_start3A_271] : memref<819200x128xf32, #tpu.memory_space<hbm>> -> memref<128x128xf32, #tpu.memory_space<hbm>>
    %dma_start3A_273 = arith.constant 0 : i32
    %dma_start3A_274 = arith.constant 0 : i32
    %dma_start3A_275 = tpu.memref_slice %arg6[%dma_start3A_264, %dma_start3A_273, %dma_start3A_274] : memref<5x128x128xf32, #tpu.memory_space<vmem>> -> memref<1x128x128xf32, #tpu.memory_space<vmem>>
    %dma_start3A_276 = tpu.memref_squeeze %dma_start3A_275 : memref<1x128x128xf32, #tpu.memory_space<vmem>> -> memref<128x128xf32, #tpu.memory_space<vmem>>
    tpu.enqueue_dma source(%dma_start3A_276 : memref<128x128xf32, #tpu.memory_space<vmem>>) target(%dma_start3A_272 : memref<128x128xf32, #tpu.memory_space<hbm>>) target_semaphore(%arg8 : memref<!tpu.dma_semaphore, #tpu.memory_space<semaphore_mem>>)
    %add3A_277 = arith.constant 384 : i32
    %add3A_278 = arith.addi %mul3A_2, %add3A_277 : i32
    %dma_wait3A_279 = arith.constant 3 : i32
    %dma_wait3A_280 = arith.constant 0 : i32
    %dma_wait3A_281 = arith.constant 0 : i32
    %dma_wait3A_282 = tpu.memref_slice %arg6[%dma_wait3A_279, %dma_wait3A_280, %dma_wait3A_281] : memref<5x128x128xf32, #tpu.memory_space<vmem>> -> memref<1x128x128xf32, #tpu.memory_space<vmem>>
    %dma_wait3A_283 = tpu.memref_squeeze %dma_wait3A_282 : memref<1x128x128xf32, #tpu.memory_space<vmem>> -> memref<128x128xf32, #tpu.memory_space<vmem>>
    %dma_wait3A_284 = arith.constant 0 : i32
    %dma_wait3A_285 = tpu.memref_slice %arg4[%add3A_278, %dma_wait3A_284] : memref<819200x128xf32, #tpu.memory_space<hbm>> -> memref<128x128xf32, #tpu.memory_space<hbm>>
    %dma_wait3A_286 = arith.constant 0 : i32
    %dma_wait3A_287 = tpu.memref_slice %arg4[%add3A_278, %dma_wait3A_286] : memref<819200x128xf32, #tpu.memory_space<hbm>> -> memref<128x128xf32, #tpu.memory_space<hbm>>
    %dma_wait3A_288 = arith.constant 0 : i32
    %dma_wait3A_289 = arith.constant 0 : i32
    %dma_wait3A_290 = tpu.memref_slice %arg6[%dma_wait3A_279, %dma_wait3A_288, %dma_wait3A_289] : memref<5x128x128xf32, #tpu.memory_space<vmem>> -> memref<1x128x128xf32, #tpu.memory_space<vmem>>
    %dma_wait3A_291 = tpu.memref_squeeze %dma_wait3A_290 : memref<1x128x128xf32, #tpu.memory_space<vmem>> -> memref<128x128xf32, #tpu.memory_space<vmem>>
    tpu.wait_dma2 semaphore(%arg8 : memref<!tpu.dma_semaphore, #tpu.memory_space<semaphore_mem>>) src(%dma_wait3A_291 : memref<128x128xf32, #tpu.memory_space<vmem>>) dst(%dma_wait3A_287 : memref<128x128xf32, #tpu.memory_space<hbm>>)
    %dma_start3A_292 = arith.constant 8 : i32
    %dma_start3A_293 = arith.constant 3 : i32
    %dma_start3A_294 = arith.constant 0 : i32
    %dma_start3A_295 = arith.constant 0 : i32
    %dma_start3A_296 = tpu.memref_slice %arg6[%dma_start3A_293, %dma_start3A_294, %dma_start3A_295] : memref<5x128x128xf32, #tpu.memory_space<vmem>> -> memref<1x128x128xf32, #tpu.memory_space<vmem>>
    %dma_start3A_297 = tpu.memref_squeeze %dma_start3A_296 : memref<1x128x128xf32, #tpu.memory_space<vmem>> -> memref<128x128xf32, #tpu.memory_space<vmem>>
    %dma_start3A_298 = arith.constant 0 : i32
    %dma_start3A_299 = tpu.memref_slice %arg5[%dma_start3A_292, %dma_start3A_298] : memref<200x128xi32, #tpu.memory_space<vmem>> -> memref<1x128xi32, #tpu.memory_space<vmem>>
    %dma_start3A_300 = tpu.memref_squeeze %dma_start3A_299 : memref<1x128xi32, #tpu.memory_space<vmem>> -> memref<128xi32, #tpu.memory_space<vmem>>
    %dma_start3A_301 = arith.constant 0 : i32
    %dma_start3A_302 = arith.constant 0 : i32
    %dma_start3A_303 = tpu.memref_slice %arg2[%dma_start3A_301, %dma_start3A_302] : memref<1000000x128xf32, #tpu.memory_space<hbm>> -> memref<1000000x128xf32, #tpu.memory_space<hbm>>
    tpu.enqueue_indirect_dma source(%dma_start3A_303 : memref<1000000x128xf32, #tpu.memory_space<hbm>>) target(%dma_start3A_297 : memref<128x128xf32, #tpu.memory_space<vmem>>) offsets(%dma_start3A_300 : memref<128xi32, #tpu.memory_space<vmem>>) semaphore(%arg7 : memref<!tpu.dma_semaphore, #tpu.memory_space<semaphore_mem>>)
    %scan3A = arith.constant 0 : i32
    %scan3A_304 = arith.constant 1 : i32
    %scan3A_305 = arith.constant 38 : i32
    %scan3A_306 = arith.addi %scan3A_304, %scan3A_305 : i32
    %scan3A_307 = arith.constant 1 : i32
    scf.for %scan3A_546 = %scan3A_304 to %scan3A_306 step %scan3A_307  : i32 {
      %mul3A_547 = arith.constant 5 : i32
      %mul3A_548 = arith.muli %scan3A_546, %mul3A_547 : i32
      %add3A_549 = arith.constant 0 : i32
      %add3A_550 = arith.addi %mul3A_548, %add3A_549 : i32
      %dma_wait3A_551 = arith.constant 0 : i32
      %dma_wait3A_552 = arith.constant 0 : i32
      %dma_wait3A_553 = arith.constant 0 : i32
      %dma_wait3A_554 = tpu.memref_slice %arg6[%dma_wait3A_551, %dma_wait3A_552, %dma_wait3A_553] : memref<5x128x128xf32, #tpu.memory_space<vmem>> -> memref<1x128x128xf32, #tpu.memory_space<vmem>>
      %dma_wait3A_555 = tpu.memref_squeeze %dma_wait3A_554 : memref<1x128x128xf32, #tpu.memory_space<vmem>> -> memref<128x128xf32, #tpu.memory_space<vmem>>
      %dma_wait3A_556 = arith.constant 0 : i32
      %dma_wait3A_557 = tpu.memref_slice %arg5[%add3A_550, %dma_wait3A_556] : memref<200x128xi32, #tpu.memory_space<vmem>> -> memref<1x128xi32, #tpu.memory_space<vmem>>
      %dma_wait3A_558 = tpu.memref_squeeze %dma_wait3A_557 : memref<1x128xi32, #tpu.memory_space<vmem>> -> memref<128xi32, #tpu.memory_space<vmem>>
      %dma_wait3A_559 = arith.constant 0 : i32
      %dma_wait3A_560 = arith.constant 0 : i32
      %dma_wait3A_561 = tpu.memref_slice %arg2[%dma_wait3A_559, %dma_wait3A_560] : memref<1000000x128xf32, #tpu.memory_space<hbm>> -> memref<1000000x128xf32, #tpu.memory_space<hbm>>
      tpu.wait_indirect_dma semaphore(%arg7 : memref<!tpu.dma_semaphore, #tpu.memory_space<semaphore_mem>>) src(%dma_wait3A_561 : memref<1000000x128xf32, #tpu.memory_space<hbm>>) dst(%dma_wait3A_555 : memref<128x128xf32, #tpu.memory_space<vmem>>)
      %mul3A_562 = arith.constant 128 : i32
      %mul3A_563 = arith.muli %add3A_550, %mul3A_562 : i32
      %add3A_564 = arith.addi %mul3A_2, %mul3A_563 : i32
      %dma_start3A_565 = arith.constant 0 : i32
      %dma_start3A_566 = arith.constant 0 : i32
      %dma_start3A_567 = arith.constant 0 : i32
      %dma_start3A_568 = tpu.memref_slice %arg6[%dma_start3A_565, %dma_start3A_566, %dma_start3A_567] : memref<5x128x128xf32, #tpu.memory_space<vmem>> -> memref<1x128x128xf32, #tpu.memory_space<vmem>>
      %dma_start3A_569 = tpu.memref_squeeze %dma_start3A_568 : memref<1x128x128xf32, #tpu.memory_space<vmem>> -> memref<128x128xf32, #tpu.memory_space<vmem>>
      %dma_start3A_570 = arith.constant 0 : i32
      %dma_start3A_571 = tpu.memref_slice %arg4[%add3A_564, %dma_start3A_570] : memref<819200x128xf32, #tpu.memory_space<hbm>> -> memref<128x128xf32, #tpu.memory_space<hbm>>
      %dma_start3A_572 = arith.constant 0 : i32
      %dma_start3A_573 = tpu.memref_slice %arg4[%add3A_564, %dma_start3A_572] : memref<819200x128xf32, #tpu.memory_space<hbm>> -> memref<128x128xf32, #tpu.memory_space<hbm>>
      %dma_start3A_574 = arith.constant 0 : i32
      %dma_start3A_575 = arith.constant 0 : i32
      %dma_start3A_576 = tpu.memref_slice %arg6[%dma_start3A_565, %dma_start3A_574, %dma_start3A_575] : memref<5x128x128xf32, #tpu.memory_space<vmem>> -> memref<1x128x128xf32, #tpu.memory_space<vmem>>
      %dma_start3A_577 = tpu.memref_squeeze %dma_start3A_576 : memref<1x128x128xf32, #tpu.memory_space<vmem>> -> memref<128x128xf32, #tpu.memory_space<vmem>>
      tpu.enqueue_dma source(%dma_start3A_577 : memref<128x128xf32, #tpu.memory_space<vmem>>) target(%dma_start3A_573 : memref<128x128xf32, #tpu.memory_space<hbm>>) target_semaphore(%arg8 : memref<!tpu.dma_semaphore, #tpu.memory_space<semaphore_mem>>)
      %sub3A = arith.constant 1 : i32
      %sub3A_578 = arith.subi %add3A_550, %sub3A : i32
      %mul3A_579 = arith.constant 128 : i32
      %mul3A_580 = arith.muli %sub3A_578, %mul3A_579 : i32
      %add3A_581 = arith.addi %mul3A_2, %mul3A_580 : i32
      %dma_wait3A_582 = arith.constant 4 : i32
      %dma_wait3A_583 = arith.constant 0 : i32
      %dma_wait3A_584 = arith.constant 0 : i32
      %dma_wait3A_585 = tpu.memref_slice %arg6[%dma_wait3A_582, %dma_wait3A_583, %dma_wait3A_584] : memref<5x128x128xf32, #tpu.memory_space<vmem>> -> memref<1x128x128xf32, #tpu.memory_space<vmem>>
      %dma_wait3A_586 = tpu.memref_squeeze %dma_wait3A_585 : memref<1x128x128xf32, #tpu.memory_space<vmem>> -> memref<128x128xf32, #tpu.memory_space<vmem>>
      %dma_wait3A_587 = arith.constant 0 : i32
      %dma_wait3A_588 = tpu.memref_slice %arg4[%add3A_581, %dma_wait3A_587] : memref<819200x128xf32, #tpu.memory_space<hbm>> -> memref<128x128xf32, #tpu.memory_space<hbm>>
      %dma_wait3A_589 = arith.constant 0 : i32
      %dma_wait3A_590 = tpu.memref_slice %arg4[%add3A_581, %dma_wait3A_589] : memref<819200x128xf32, #tpu.memory_space<hbm>> -> memref<128x128xf32, #tpu.memory_space<hbm>>
      %dma_wait3A_591 = arith.constant 0 : i32
      %dma_wait3A_592 = arith.constant 0 : i32
      %dma_wait3A_593 = tpu.memref_slice %arg6[%dma_wait3A_582, %dma_wait3A_591, %dma_wait3A_592] : memref<5x128x128xf32, #tpu.memory_space<vmem>> -> memref<1x128x128xf32, #tpu.memory_space<vmem>>
      %dma_wait3A_594 = tpu.memref_squeeze %dma_wait3A_593 : memref<1x128x128xf32, #tpu.memory_space<vmem>> -> memref<128x128xf32, #tpu.memory_space<vmem>>
      tpu.wait_dma2 semaphore(%arg8 : memref<!tpu.dma_semaphore, #tpu.memory_space<semaphore_mem>>) src(%dma_wait3A_594 : memref<128x128xf32, #tpu.memory_space<vmem>>) dst(%dma_wait3A_590 : memref<128x128xf32, #tpu.memory_space<hbm>>)
      %add3A_595 = arith.constant 4 : i32
      %add3A_596 = arith.addi %add3A_550, %add3A_595 : i32
      %dma_start3A_597 = arith.constant 4 : i32
      %dma_start3A_598 = arith.constant 0 : i32
      %dma_start3A_599 = arith.constant 0 : i32
      %dma_start3A_600 = tpu.memref_slice %arg6[%dma_start3A_597, %dma_start3A_598, %dma_start3A_599] : memref<5x128x128xf32, #tpu.memory_space<vmem>> -> memref<1x128x128xf32, #tpu.memory_space<vmem>>
      %dma_start3A_601 = tpu.memref_squeeze %dma_start3A_600 : memref<1x128x128xf32, #tpu.memory_space<vmem>> -> memref<128x128xf32, #tpu.memory_space<vmem>>
      %dma_start3A_602 = arith.constant 0 : i32
      %dma_start3A_603 = tpu.memref_slice %arg5[%add3A_596, %dma_start3A_602] : memref<200x128xi32, #tpu.memory_space<vmem>> -> memref<1x128xi32, #tpu.memory_space<vmem>>
      %dma_start3A_604 = tpu.memref_squeeze %dma_start3A_603 : memref<1x128xi32, #tpu.memory_space<vmem>> -> memref<128xi32, #tpu.memory_space<vmem>>
      %dma_start3A_605 = arith.constant 0 : i32
      %dma_start3A_606 = arith.constant 0 : i32
      %dma_start3A_607 = tpu.memref_slice %arg2[%dma_start3A_605, %dma_start3A_606] : memref<1000000x128xf32, #tpu.memory_space<hbm>> -> memref<1000000x128xf32, #tpu.memory_space<hbm>>
      tpu.enqueue_indirect_dma source(%dma_start3A_607 : memref<1000000x128xf32, #tpu.memory_space<hbm>>) target(%dma_start3A_601 : memref<128x128xf32, #tpu.memory_space<vmem>>) offsets(%dma_start3A_604 : memref<128xi32, #tpu.memory_space<vmem>>) semaphore(%arg7 : memref<!tpu.dma_semaphore, #tpu.memory_space<semaphore_mem>>)
      %add3A_608 = arith.constant 1 : i32
      %add3A_609 = arith.addi %mul3A_548, %add3A_608 : i32
      %dma_wait3A_610 = arith.constant 1 : i32
      %dma_wait3A_611 = arith.constant 0 : i32
      %dma_wait3A_612 = arith.constant 0 : i32
      %dma_wait3A_613 = tpu.memref_slice %arg6[%dma_wait3A_610, %dma_wait3A_611, %dma_wait3A_612] : memref<5x128x128xf32, #tpu.memory_space<vmem>> -> memref<1x128x128xf32, #tpu.memory_space<vmem>>
      %dma_wait3A_614 = tpu.memref_squeeze %dma_wait3A_613 : memref<1x128x128xf32, #tpu.memory_space<vmem>> -> memref<128x128xf32, #tpu.memory_space<vmem>>
      %dma_wait3A_615 = arith.constant 0 : i32
      %dma_wait3A_616 = tpu.memref_slice %arg5[%add3A_609, %dma_wait3A_615] : memref<200x128xi32, #tpu.memory_space<vmem>> -> memref<1x128xi32, #tpu.memory_space<vmem>>
      %dma_wait3A_617 = tpu.memref_squeeze %dma_wait3A_616 : memref<1x128xi32, #tpu.memory_space<vmem>> -> memref<128xi32, #tpu.memory_space<vmem>>
      %dma_wait3A_618 = arith.constant 0 : i32
      %dma_wait3A_619 = arith.constant 0 : i32
      %dma_wait3A_620 = tpu.memref_slice %arg2[%dma_wait3A_618, %dma_wait3A_619] : memref<1000000x128xf32, #tpu.memory_space<hbm>> -> memref<1000000x128xf32, #tpu.memory_space<hbm>>
      tpu.wait_indirect_dma semaphore(%arg7 : memref<!tpu.dma_semaphore, #tpu.memory_space<semaphore_mem>>) src(%dma_wait3A_620 : memref<1000000x128xf32, #tpu.memory_space<hbm>>) dst(%dma_wait3A_614 : memref<128x128xf32, #tpu.memory_space<vmem>>)
      %mul3A_621 = arith.constant 128 : i32
      %mul3A_622 = arith.muli %add3A_609, %mul3A_621 : i32
      %add3A_623 = arith.addi %mul3A_2, %mul3A_622 : i32
      %dma_start3A_624 = arith.constant 1 : i32
      %dma_start3A_625 = arith.constant 0 : i32
      %dma_start3A_626 = arith.constant 0 : i32
      %dma_start3A_627 = tpu.memref_slice %arg6[%dma_start3A_624, %dma_start3A_625, %dma_start3A_626] : memref<5x128x128xf32, #tpu.memory_space<vmem>> -> memref<1x128x128xf32, #tpu.memory_space<vmem>>
      %dma_start3A_628 = tpu.memref_squeeze %dma_start3A_627 : memref<1x128x128xf32, #tpu.memory_space<vmem>> -> memref<128x128xf32, #tpu.memory_space<vmem>>
      %dma_start3A_629 = arith.constant 0 : i32
      %dma_start3A_630 = tpu.memref_slice %arg4[%add3A_623, %dma_start3A_629] : memref<819200x128xf32, #tpu.memory_space<hbm>> -> memref<128x128xf32, #tpu.memory_space<hbm>>
      %dma_start3A_631 = arith.constant 0 : i32
      %dma_start3A_632 = tpu.memref_slice %arg4[%add3A_623, %dma_start3A_631] : memref<819200x128xf32, #tpu.memory_space<hbm>> -> memref<128x128xf32, #tpu.memory_space<hbm>>
      %dma_start3A_633 = arith.constant 0 : i32
      %dma_start3A_634 = arith.constant 0 : i32
      %dma_start3A_635 = tpu.memref_slice %arg6[%dma_start3A_624, %dma_start3A_633, %dma_start3A_634] : memref<5x128x128xf32, #tpu.memory_space<vmem>> -> memref<1x128x128xf32, #tpu.memory_space<vmem>>
      %dma_start3A_636 = tpu.memref_squeeze %dma_start3A_635 : memref<1x128x128xf32, #tpu.memory_space<vmem>> -> memref<128x128xf32, #tpu.memory_space<vmem>>
      tpu.enqueue_dma source(%dma_start3A_636 : memref<128x128xf32, #tpu.memory_space<vmem>>) target(%dma_start3A_632 : memref<128x128xf32, #tpu.memory_space<hbm>>) target_semaphore(%arg8 : memref<!tpu.dma_semaphore, #tpu.memory_space<semaphore_mem>>)
      %sub3A_637 = arith.constant 1 : i32
      %sub3A_638 = arith.subi %add3A_609, %sub3A_637 : i32
      %mul3A_639 = arith.constant 128 : i32
      %mul3A_640 = arith.muli %sub3A_638, %mul3A_639 : i32
      %add3A_641 = arith.addi %mul3A_2, %mul3A_640 : i32
      %dma_wait3A_642 = arith.constant 0 : i32
      %dma_wait3A_643 = arith.constant 0 : i32
      %dma_wait3A_644 = arith.constant 0 : i32
      %dma_wait3A_645 = tpu.memref_slice %arg6[%dma_wait3A_642, %dma_wait3A_643, %dma_wait3A_644] : memref<5x128x128xf32, #tpu.memory_space<vmem>> -> memref<1x128x128xf32, #tpu.memory_space<vmem>>
      %dma_wait3A_646 = tpu.memref_squeeze %dma_wait3A_645 : memref<1x128x128xf32, #tpu.memory_space<vmem>> -> memref<128x128xf32, #tpu.memory_space<vmem>>
      %dma_wait3A_647 = arith.constant 0 : i32
      %dma_wait3A_648 = tpu.memref_slice %arg4[%add3A_641, %dma_wait3A_647] : memref<819200x128xf32, #tpu.memory_space<hbm>> -> memref<128x128xf32, #tpu.memory_space<hbm>>
      %dma_wait3A_649 = arith.constant 0 : i32
      %dma_wait3A_650 = tpu.memref_slice %arg4[%add3A_641, %dma_wait3A_649] : memref<819200x128xf32, #tpu.memory_space<hbm>> -> memref<128x128xf32, #tpu.memory_space<hbm>>
      %dma_wait3A_651 = arith.constant 0 : i32
      %dma_wait3A_652 = arith.constant 0 : i32
      %dma_wait3A_653 = tpu.memref_slice %arg6[%dma_wait3A_642, %dma_wait3A_651, %dma_wait3A_652] : memref<5x128x128xf32, #tpu.memory_space<vmem>> -> memref<1x128x128xf32, #tpu.memory_space<vmem>>
      %dma_wait3A_654 = tpu.memref_squeeze %dma_wait3A_653 : memref<1x128x128xf32, #tpu.memory_space<vmem>> -> memref<128x128xf32, #tpu.memory_space<vmem>>
      tpu.wait_dma2 semaphore(%arg8 : memref<!tpu.dma_semaphore, #tpu.memory_space<semaphore_mem>>) src(%dma_wait3A_654 : memref<128x128xf32, #tpu.memory_space<vmem>>) dst(%dma_wait3A_650 : memref<128x128xf32, #tpu.memory_space<hbm>>)
      %add3A_655 = arith.constant 4 : i32
      %add3A_656 = arith.addi %add3A_609, %add3A_655 : i32
      %dma_start3A_657 = arith.constant 0 : i32
      %dma_start3A_658 = arith.constant 0 : i32
      %dma_start3A_659 = arith.constant 0 : i32
      %dma_start3A_660 = tpu.memref_slice %arg6[%dma_start3A_657, %dma_start3A_658, %dma_start3A_659] : memref<5x128x128xf32, #tpu.memory_space<vmem>> -> memref<1x128x128xf32, #tpu.memory_space<vmem>>
      %dma_start3A_661 = tpu.memref_squeeze %dma_start3A_660 : memref<1x128x128xf32, #tpu.memory_space<vmem>> -> memref<128x128xf32, #tpu.memory_space<vmem>>
      %dma_start3A_662 = arith.constant 0 : i32
      %dma_start3A_663 = tpu.memref_slice %arg5[%add3A_656, %dma_start3A_662] : memref<200x128xi32, #tpu.memory_space<vmem>> -> memref<1x128xi32, #tpu.memory_space<vmem>>
      %dma_start3A_664 = tpu.memref_squeeze %dma_start3A_663 : memref<1x128xi32, #tpu.memory_space<vmem>> -> memref<128xi32, #tpu.memory_space<vmem>>
      %dma_start3A_665 = arith.constant 0 : i32
      %dma_start3A_666 = arith.constant 0 : i32
      %dma_start3A_667 = tpu.memref_slice %arg2[%dma_start3A_665, %dma_start3A_666] : memref<1000000x128xf32, #tpu.memory_space<hbm>> -> memref<1000000x128xf32, #tpu.memory_space<hbm>>
      tpu.enqueue_indirect_dma source(%dma_start3A_667 : memref<1000000x128xf32, #tpu.memory_space<hbm>>) target(%dma_start3A_661 : memref<128x128xf32, #tpu.memory_space<vmem>>) offsets(%dma_start3A_664 : memref<128xi32, #tpu.memory_space<vmem>>) semaphore(%arg7 : memref<!tpu.dma_semaphore, #tpu.memory_space<semaphore_mem>>)
      %add3A_668 = arith.constant 2 : i32
      %add3A_669 = arith.addi %mul3A_548, %add3A_668 : i32
      %dma_wait3A_670 = arith.constant 2 : i32
      %dma_wait3A_671 = arith.constant 0 : i32
      %dma_wait3A_672 = arith.constant 0 : i32
      %dma_wait3A_673 = tpu.memref_slice %arg6[%dma_wait3A_670, %dma_wait3A_671, %dma_wait3A_672] : memref<5x128x128xf32, #tpu.memory_space<vmem>> -> memref<1x128x128xf32, #tpu.memory_space<vmem>>
      %dma_wait3A_674 = tpu.memref_squeeze %dma_wait3A_673 : memref<1x128x128xf32, #tpu.memory_space<vmem>> -> memref<128x128xf32, #tpu.memory_space<vmem>>
      %dma_wait3A_675 = arith.constant 0 : i32
      %dma_wait3A_676 = tpu.memref_slice %arg5[%add3A_669, %dma_wait3A_675] : memref<200x128xi32, #tpu.memory_space<vmem>> -> memref<1x128xi32, #tpu.memory_space<vmem>>
      %dma_wait3A_677 = tpu.memref_squeeze %dma_wait3A_676 : memref<1x128xi32, #tpu.memory_space<vmem>> -> memref<128xi32, #tpu.memory_space<vmem>>
      %dma_wait3A_678 = arith.constant 0 : i32
      %dma_wait3A_679 = arith.constant 0 : i32
      %dma_wait3A_680 = tpu.memref_slice %arg2[%dma_wait3A_678, %dma_wait3A_679] : memref<1000000x128xf32, #tpu.memory_space<hbm>> -> memref<1000000x128xf32, #tpu.memory_space<hbm>>
      tpu.wait_indirect_dma semaphore(%arg7 : memref<!tpu.dma_semaphore, #tpu.memory_space<semaphore_mem>>) src(%dma_wait3A_680 : memref<1000000x128xf32, #tpu.memory_space<hbm>>) dst(%dma_wait3A_674 : memref<128x128xf32, #tpu.memory_space<vmem>>)
      %mul3A_681 = arith.constant 128 : i32
      %mul3A_682 = arith.muli %add3A_669, %mul3A_681 : i32
      %add3A_683 = arith.addi %mul3A_2, %mul3A_682 : i32
      %dma_start3A_684 = arith.constant 2 : i32
      %dma_start3A_685 = arith.constant 0 : i32
      %dma_start3A_686 = arith.constant 0 : i32
      %dma_start3A_687 = tpu.memref_slice %arg6[%dma_start3A_684, %dma_start3A_685, %dma_start3A_686] : memref<5x128x128xf32, #tpu.memory_space<vmem>> -> memref<1x128x128xf32, #tpu.memory_space<vmem>>
      %dma_start3A_688 = tpu.memref_squeeze %dma_start3A_687 : memref<1x128x128xf32, #tpu.memory_space<vmem>> -> memref<128x128xf32, #tpu.memory_space<vmem>>
      %dma_start3A_689 = arith.constant 0 : i32
      %dma_start3A_690 = tpu.memref_slice %arg4[%add3A_683, %dma_start3A_689] : memref<819200x128xf32, #tpu.memory_space<hbm>> -> memref<128x128xf32, #tpu.memory_space<hbm>>
      %dma_start3A_691 = arith.constant 0 : i32
      %dma_start3A_692 = tpu.memref_slice %arg4[%add3A_683, %dma_start3A_691] : memref<819200x128xf32, #tpu.memory_space<hbm>> -> memref<128x128xf32, #tpu.memory_space<hbm>>
      %dma_start3A_693 = arith.constant 0 : i32
      %dma_start3A_694 = arith.constant 0 : i32
      %dma_start3A_695 = tpu.memref_slice %arg6[%dma_start3A_684, %dma_start3A_693, %dma_start3A_694] : memref<5x128x128xf32, #tpu.memory_space<vmem>> -> memref<1x128x128xf32, #tpu.memory_space<vmem>>
      %dma_start3A_696 = tpu.memref_squeeze %dma_start3A_695 : memref<1x128x128xf32, #tpu.memory_space<vmem>> -> memref<128x128xf32, #tpu.memory_space<vmem>>
      tpu.enqueue_dma source(%dma_start3A_696 : memref<128x128xf32, #tpu.memory_space<vmem>>) target(%dma_start3A_692 : memref<128x128xf32, #tpu.memory_space<hbm>>) target_semaphore(%arg8 : memref<!tpu.dma_semaphore, #tpu.memory_space<semaphore_mem>>)
      %sub3A_697 = arith.constant 1 : i32
      %sub3A_698 = arith.subi %add3A_669, %sub3A_697 : i32
      %mul3A_699 = arith.constant 128 : i32
      %mul3A_700 = arith.muli %sub3A_698, %mul3A_699 : i32
      %add3A_701 = arith.addi %mul3A_2, %mul3A_700 : i32
      %dma_wait3A_702 = arith.constant 1 : i32
      %dma_wait3A_703 = arith.constant 0 : i32
      %dma_wait3A_704 = arith.constant 0 : i32
      %dma_wait3A_705 = tpu.memref_slice %arg6[%dma_wait3A_702, %dma_wait3A_703, %dma_wait3A_704] : memref<5x128x128xf32, #tpu.memory_space<vmem>> -> memref<1x128x128xf32, #tpu.memory_space<vmem>>
      %dma_wait3A_706 = tpu.memref_squeeze %dma_wait3A_705 : memref<1x128x128xf32, #tpu.memory_space<vmem>> -> memref<128x128xf32, #tpu.memory_space<vmem>>
      %dma_wait3A_707 = arith.constant 0 : i32
      %dma_wait3A_708 = tpu.memref_slice %arg4[%add3A_701, %dma_wait3A_707] : memref<819200x128xf32, #tpu.memory_space<hbm>> -> memref<128x128xf32, #tpu.memory_space<hbm>>
      %dma_wait3A_709 = arith.constant 0 : i32
      %dma_wait3A_710 = tpu.memref_slice %arg4[%add3A_701, %dma_wait3A_709] : memref<819200x128xf32, #tpu.memory_space<hbm>> -> memref<128x128xf32, #tpu.memory_space<hbm>>
      %dma_wait3A_711 = arith.constant 0 : i32
      %dma_wait3A_712 = arith.constant 0 : i32
      %dma_wait3A_713 = tpu.memref_slice %arg6[%dma_wait3A_702, %dma_wait3A_711, %dma_wait3A_712] : memref<5x128x128xf32, #tpu.memory_space<vmem>> -> memref<1x128x128xf32, #tpu.memory_space<vmem>>
      %dma_wait3A_714 = tpu.memref_squeeze %dma_wait3A_713 : memref<1x128x128xf32, #tpu.memory_space<vmem>> -> memref<128x128xf32, #tpu.memory_space<vmem>>
      tpu.wait_dma2 semaphore(%arg8 : memref<!tpu.dma_semaphore, #tpu.memory_space<semaphore_mem>>) src(%dma_wait3A_714 : memref<128x128xf32, #tpu.memory_space<vmem>>) dst(%dma_wait3A_710 : memref<128x128xf32, #tpu.memory_space<hbm>>)
      %add3A_715 = arith.constant 4 : i32
      %add3A_716 = arith.addi %add3A_669, %add3A_715 : i32
      %dma_start3A_717 = arith.constant 1 : i32
      %dma_start3A_718 = arith.constant 0 : i32
      %dma_start3A_719 = arith.constant 0 : i32
      %dma_start3A_720 = tpu.memref_slice %arg6[%dma_start3A_717, %dma_start3A_718, %dma_start3A_719] : memref<5x128x128xf32, #tpu.memory_space<vmem>> -> memref<1x128x128xf32, #tpu.memory_space<vmem>>
      %dma_start3A_721 = tpu.memref_squeeze %dma_start3A_720 : memref<1x128x128xf32, #tpu.memory_space<vmem>> -> memref<128x128xf32, #tpu.memory_space<vmem>>
      %dma_start3A_722 = arith.constant 0 : i32
      %dma_start3A_723 = tpu.memref_slice %arg5[%add3A_716, %dma_start3A_722] : memref<200x128xi32, #tpu.memory_space<vmem>> -> memref<1x128xi32, #tpu.memory_space<vmem>>
      %dma_start3A_724 = tpu.memref_squeeze %dma_start3A_723 : memref<1x128xi32, #tpu.memory_space<vmem>> -> memref<128xi32, #tpu.memory_space<vmem>>
      %dma_start3A_725 = arith.constant 0 : i32
      %dma_start3A_726 = arith.constant 0 : i32
      %dma_start3A_727 = tpu.memref_slice %arg2[%dma_start3A_725, %dma_start3A_726] : memref<1000000x128xf32, #tpu.memory_space<hbm>> -> memref<1000000x128xf32, #tpu.memory_space<hbm>>
      tpu.enqueue_indirect_dma source(%dma_start3A_727 : memref<1000000x128xf32, #tpu.memory_space<hbm>>) target(%dma_start3A_721 : memref<128x128xf32, #tpu.memory_space<vmem>>) offsets(%dma_start3A_724 : memref<128xi32, #tpu.memory_space<vmem>>) semaphore(%arg7 : memref<!tpu.dma_semaphore, #tpu.memory_space<semaphore_mem>>)
      %add3A_728 = arith.constant 3 : i32
      %add3A_729 = arith.addi %mul3A_548, %add3A_728 : i32
      %dma_wait3A_730 = arith.constant 3 : i32
      %dma_wait3A_731 = arith.constant 0 : i32
      %dma_wait3A_732 = arith.constant 0 : i32
      %dma_wait3A_733 = tpu.memref_slice %arg6[%dma_wait3A_730, %dma_wait3A_731, %dma_wait3A_732] : memref<5x128x128xf32, #tpu.memory_space<vmem>> -> memref<1x128x128xf32, #tpu.memory_space<vmem>>
      %dma_wait3A_734 = tpu.memref_squeeze %dma_wait3A_733 : memref<1x128x128xf32, #tpu.memory_space<vmem>> -> memref<128x128xf32, #tpu.memory_space<vmem>>
      %dma_wait3A_735 = arith.constant 0 : i32
      %dma_wait3A_736 = tpu.memref_slice %arg5[%add3A_729, %dma_wait3A_735] : memref<200x128xi32, #tpu.memory_space<vmem>> -> memref<1x128xi32, #tpu.memory_space<vmem>>
      %dma_wait3A_737 = tpu.memref_squeeze %dma_wait3A_736 : memref<1x128xi32, #tpu.memory_space<vmem>> -> memref<128xi32, #tpu.memory_space<vmem>>
      %dma_wait3A_738 = arith.constant 0 : i32
      %dma_wait3A_739 = arith.constant 0 : i32
      %dma_wait3A_740 = tpu.memref_slice %arg2[%dma_wait3A_738, %dma_wait3A_739] : memref<1000000x128xf32, #tpu.memory_space<hbm>> -> memref<1000000x128xf32, #tpu.memory_space<hbm>>
      tpu.wait_indirect_dma semaphore(%arg7 : memref<!tpu.dma_semaphore, #tpu.memory_space<semaphore_mem>>) src(%dma_wait3A_740 : memref<1000000x128xf32, #tpu.memory_space<hbm>>) dst(%dma_wait3A_734 : memref<128x128xf32, #tpu.memory_space<vmem>>)
      %mul3A_741 = arith.constant 128 : i32
      %mul3A_742 = arith.muli %add3A_729, %mul3A_741 : i32
      %add3A_743 = arith.addi %mul3A_2, %mul3A_742 : i32
      %dma_start3A_744 = arith.constant 3 : i32
      %dma_start3A_745 = arith.constant 0 : i32
      %dma_start3A_746 = arith.constant 0 : i32
      %dma_start3A_747 = tpu.memref_slice %arg6[%dma_start3A_744, %dma_start3A_745, %dma_start3A_746] : memref<5x128x128xf32, #tpu.memory_space<vmem>> -> memref<1x128x128xf32, #tpu.memory_space<vmem>>
      %dma_start3A_748 = tpu.memref_squeeze %dma_start3A_747 : memref<1x128x128xf32, #tpu.memory_space<vmem>> -> memref<128x128xf32, #tpu.memory_space<vmem>>
      %dma_start3A_749 = arith.constant 0 : i32
      %dma_start3A_750 = tpu.memref_slice %arg4[%add3A_743, %dma_start3A_749] : memref<819200x128xf32, #tpu.memory_space<hbm>> -> memref<128x128xf32, #tpu.memory_space<hbm>>
      %dma_start3A_751 = arith.constant 0 : i32
      %dma_start3A_752 = tpu.memref_slice %arg4[%add3A_743, %dma_start3A_751] : memref<819200x128xf32, #tpu.memory_space<hbm>> -> memref<128x128xf32, #tpu.memory_space<hbm>>
      %dma_start3A_753 = arith.constant 0 : i32
      %dma_start3A_754 = arith.constant 0 : i32
      %dma_start3A_755 = tpu.memref_slice %arg6[%dma_start3A_744, %dma_start3A_753, %dma_start3A_754] : memref<5x128x128xf32, #tpu.memory_space<vmem>> -> memref<1x128x128xf32, #tpu.memory_space<vmem>>
      %dma_start3A_756 = tpu.memref_squeeze %dma_start3A_755 : memref<1x128x128xf32, #tpu.memory_space<vmem>> -> memref<128x128xf32, #tpu.memory_space<vmem>>
      tpu.enqueue_dma source(%dma_start3A_756 : memref<128x128xf32, #tpu.memory_space<vmem>>) target(%dma_start3A_752 : memref<128x128xf32, #tpu.memory_space<hbm>>) target_semaphore(%arg8 : memref<!tpu.dma_semaphore, #tpu.memory_space<semaphore_mem>>)
      %sub3A_757 = arith.constant 1 : i32
      %sub3A_758 = arith.subi %add3A_729, %sub3A_757 : i32
      %mul3A_759 = arith.constant 128 : i32
      %mul3A_760 = arith.muli %sub3A_758, %mul3A_759 : i32
      %add3A_761 = arith.addi %mul3A_2, %mul3A_760 : i32
      %dma_wait3A_762 = arith.constant 2 : i32
      %dma_wait3A_763 = arith.constant 0 : i32
      %dma_wait3A_764 = arith.constant 0 : i32
      %dma_wait3A_765 = tpu.memref_slice %arg6[%dma_wait3A_762, %dma_wait3A_763, %dma_wait3A_764] : memref<5x128x128xf32, #tpu.memory_space<vmem>> -> memref<1x128x128xf32, #tpu.memory_space<vmem>>
      %dma_wait3A_766 = tpu.memref_squeeze %dma_wait3A_765 : memref<1x128x128xf32, #tpu.memory_space<vmem>> -> memref<128x128xf32, #tpu.memory_space<vmem>>
      %dma_wait3A_767 = arith.constant 0 : i32
      %dma_wait3A_768 = tpu.memref_slice %arg4[%add3A_761, %dma_wait3A_767] : memref<819200x128xf32, #tpu.memory_space<hbm>> -> memref<128x128xf32, #tpu.memory_space<hbm>>
      %dma_wait3A_769 = arith.constant 0 : i32
      %dma_wait3A_770 = tpu.memref_slice %arg4[%add3A_761, %dma_wait3A_769] : memref<819200x128xf32, #tpu.memory_space<hbm>> -> memref<128x128xf32, #tpu.memory_space<hbm>>
      %dma_wait3A_771 = arith.constant 0 : i32
      %dma_wait3A_772 = arith.constant 0 : i32
      %dma_wait3A_773 = tpu.memref_slice %arg6[%dma_wait3A_762, %dma_wait3A_771, %dma_wait3A_772] : memref<5x128x128xf32, #tpu.memory_space<vmem>> -> memref<1x128x128xf32, #tpu.memory_space<vmem>>
      %dma_wait3A_774 = tpu.memref_squeeze %dma_wait3A_773 : memref<1x128x128xf32, #tpu.memory_space<vmem>> -> memref<128x128xf32, #tpu.memory_space<vmem>>
      tpu.wait_dma2 semaphore(%arg8 : memref<!tpu.dma_semaphore, #tpu.memory_space<semaphore_mem>>) src(%dma_wait3A_774 : memref<128x128xf32, #tpu.memory_space<vmem>>) dst(%dma_wait3A_770 : memref<128x128xf32, #tpu.memory_space<hbm>>)
      %add3A_775 = arith.constant 4 : i32
      %add3A_776 = arith.addi %add3A_729, %add3A_775 : i32
      %dma_start3A_777 = arith.constant 2 : i32
      %dma_start3A_778 = arith.constant 0 : i32
      %dma_start3A_779 = arith.constant 0 : i32
      %dma_start3A_780 = tpu.memref_slice %arg6[%dma_start3A_777, %dma_start3A_778, %dma_start3A_779] : memref<5x128x128xf32, #tpu.memory_space<vmem>> -> memref<1x128x128xf32, #tpu.memory_space<vmem>>
      %dma_start3A_781 = tpu.memref_squeeze %dma_start3A_780 : memref<1x128x128xf32, #tpu.memory_space<vmem>> -> memref<128x128xf32, #tpu.memory_space<vmem>>
      %dma_start3A_782 = arith.constant 0 : i32
      %dma_start3A_783 = tpu.memref_slice %arg5[%add3A_776, %dma_start3A_782] : memref<200x128xi32, #tpu.memory_space<vmem>> -> memref<1x128xi32, #tpu.memory_space<vmem>>
      %dma_start3A_784 = tpu.memref_squeeze %dma_start3A_783 : memref<1x128xi32, #tpu.memory_space<vmem>> -> memref<128xi32, #tpu.memory_space<vmem>>
      %dma_start3A_785 = arith.constant 0 : i32
      %dma_start3A_786 = arith.constant 0 : i32
      %dma_start3A_787 = tpu.memref_slice %arg2[%dma_start3A_785, %dma_start3A_786] : memref<1000000x128xf32, #tpu.memory_space<hbm>> -> memref<1000000x128xf32, #tpu.memory_space<hbm>>
      tpu.enqueue_indirect_dma source(%dma_start3A_787 : memref<1000000x128xf32, #tpu.memory_space<hbm>>) target(%dma_start3A_781 : memref<128x128xf32, #tpu.memory_space<vmem>>) offsets(%dma_start3A_784 : memref<128xi32, #tpu.memory_space<vmem>>) semaphore(%arg7 : memref<!tpu.dma_semaphore, #tpu.memory_space<semaphore_mem>>)
      %add3A_788 = arith.constant 4 : i32
      %add3A_789 = arith.addi %mul3A_548, %add3A_788 : i32
      %dma_wait3A_790 = arith.constant 4 : i32
      %dma_wait3A_791 = arith.constant 0 : i32
      %dma_wait3A_792 = arith.constant 0 : i32
      %dma_wait3A_793 = tpu.memref_slice %arg6[%dma_wait3A_790, %dma_wait3A_791, %dma_wait3A_792] : memref<5x128x128xf32, #tpu.memory_space<vmem>> -> memref<1x128x128xf32, #tpu.memory_space<vmem>>
      %dma_wait3A_794 = tpu.memref_squeeze %dma_wait3A_793 : memref<1x128x128xf32, #tpu.memory_space<vmem>> -> memref<128x128xf32, #tpu.memory_space<vmem>>
      %dma_wait3A_795 = arith.constant 0 : i32
      %dma_wait3A_796 = tpu.memref_slice %arg5[%add3A_789, %dma_wait3A_795] : memref<200x128xi32, #tpu.memory_space<vmem>> -> memref<1x128xi32, #tpu.memory_space<vmem>>
      %dma_wait3A_797 = tpu.memref_squeeze %dma_wait3A_796 : memref<1x128xi32, #tpu.memory_space<vmem>> -> memref<128xi32, #tpu.memory_space<vmem>>
      %dma_wait3A_798 = arith.constant 0 : i32
      %dma_wait3A_799 = arith.constant 0 : i32
      %dma_wait3A_800 = tpu.memref_slice %arg2[%dma_wait3A_798, %dma_wait3A_799] : memref<1000000x128xf32, #tpu.memory_space<hbm>> -> memref<1000000x128xf32, #tpu.memory_space<hbm>>
      tpu.wait_indirect_dma semaphore(%arg7 : memref<!tpu.dma_semaphore, #tpu.memory_space<semaphore_mem>>) src(%dma_wait3A_800 : memref<1000000x128xf32, #tpu.memory_space<hbm>>) dst(%dma_wait3A_794 : memref<128x128xf32, #tpu.memory_space<vmem>>)
      %mul3A_801 = arith.constant 128 : i32
      %mul3A_802 = arith.muli %add3A_789, %mul3A_801 : i32
      %add3A_803 = arith.addi %mul3A_2, %mul3A_802 : i32
      %dma_start3A_804 = arith.constant 4 : i32
      %dma_start3A_805 = arith.constant 0 : i32
      %dma_start3A_806 = arith.constant 0 : i32
      %dma_start3A_807 = tpu.memref_slice %arg6[%dma_start3A_804, %dma_start3A_805, %dma_start3A_806] : memref<5x128x128xf32, #tpu.memory_space<vmem>> -> memref<1x128x128xf32, #tpu.memory_space<vmem>>
      %dma_start3A_808 = tpu.memref_squeeze %dma_start3A_807 : memref<1x128x128xf32, #tpu.memory_space<vmem>> -> memref<128x128xf32, #tpu.memory_space<vmem>>
      %dma_start3A_809 = arith.constant 0 : i32
      %dma_start3A_810 = tpu.memref_slice %arg4[%add3A_803, %dma_start3A_809] : memref<819200x128xf32, #tpu.memory_space<hbm>> -> memref<128x128xf32, #tpu.memory_space<hbm>>
      %dma_start3A_811 = arith.constant 0 : i32
      %dma_start3A_812 = tpu.memref_slice %arg4[%add3A_803, %dma_start3A_811] : memref<819200x128xf32, #tpu.memory_space<hbm>> -> memref<128x128xf32, #tpu.memory_space<hbm>>
      %dma_start3A_813 = arith.constant 0 : i32
      %dma_start3A_814 = arith.constant 0 : i32
      %dma_start3A_815 = tpu.memref_slice %arg6[%dma_start3A_804, %dma_start3A_813, %dma_start3A_814] : memref<5x128x128xf32, #tpu.memory_space<vmem>> -> memref<1x128x128xf32, #tpu.memory_space<vmem>>
      %dma_start3A_816 = tpu.memref_squeeze %dma_start3A_815 : memref<1x128x128xf32, #tpu.memory_space<vmem>> -> memref<128x128xf32, #tpu.memory_space<vmem>>
      tpu.enqueue_dma source(%dma_start3A_816 : memref<128x128xf32, #tpu.memory_space<vmem>>) target(%dma_start3A_812 : memref<128x128xf32, #tpu.memory_space<hbm>>) target_semaphore(%arg8 : memref<!tpu.dma_semaphore, #tpu.memory_space<semaphore_mem>>)
      %sub3A_817 = arith.constant 1 : i32
      %sub3A_818 = arith.subi %add3A_789, %sub3A_817 : i32
      %mul3A_819 = arith.constant 128 : i32
      %mul3A_820 = arith.muli %sub3A_818, %mul3A_819 : i32
      %add3A_821 = arith.addi %mul3A_2, %mul3A_820 : i32
      %dma_wait3A_822 = arith.constant 3 : i32
      %dma_wait3A_823 = arith.constant 0 : i32
      %dma_wait3A_824 = arith.constant 0 : i32
      %dma_wait3A_825 = tpu.memref_slice %arg6[%dma_wait3A_822, %dma_wait3A_823, %dma_wait3A_824] : memref<5x128x128xf32, #tpu.memory_space<vmem>> -> memref<1x128x128xf32, #tpu.memory_space<vmem>>
      %dma_wait3A_826 = tpu.memref_squeeze %dma_wait3A_825 : memref<1x128x128xf32, #tpu.memory_space<vmem>> -> memref<128x128xf32, #tpu.memory_space<vmem>>
      %dma_wait3A_827 = arith.constant 0 : i32
      %dma_wait3A_828 = tpu.memref_slice %arg4[%add3A_821, %dma_wait3A_827] : memref<819200x128xf32, #tpu.memory_space<hbm>> -> memref<128x128xf32, #tpu.memory_space<hbm>>
      %dma_wait3A_829 = arith.constant 0 : i32
      %dma_wait3A_830 = tpu.memref_slice %arg4[%add3A_821, %dma_wait3A_829] : memref<819200x128xf32, #tpu.memory_space<hbm>> -> memref<128x128xf32, #tpu.memory_space<hbm>>
      %dma_wait3A_831 = arith.constant 0 : i32
      %dma_wait3A_832 = arith.constant 0 : i32
      %dma_wait3A_833 = tpu.memref_slice %arg6[%dma_wait3A_822, %dma_wait3A_831, %dma_wait3A_832] : memref<5x128x128xf32, #tpu.memory_space<vmem>> -> memref<1x128x128xf32, #tpu.memory_space<vmem>>
      %dma_wait3A_834 = tpu.memref_squeeze %dma_wait3A_833 : memref<1x128x128xf32, #tpu.memory_space<vmem>> -> memref<128x128xf32, #tpu.memory_space<vmem>>
      tpu.wait_dma2 semaphore(%arg8 : memref<!tpu.dma_semaphore, #tpu.memory_space<semaphore_mem>>) src(%dma_wait3A_834 : memref<128x128xf32, #tpu.memory_space<vmem>>) dst(%dma_wait3A_830 : memref<128x128xf32, #tpu.memory_space<hbm>>)
      %add3A_835 = arith.constant 4 : i32
      %add3A_836 = arith.addi %add3A_789, %add3A_835 : i32
      %dma_start3A_837 = arith.constant 3 : i32
      %dma_start3A_838 = arith.constant 0 : i32
      %dma_start3A_839 = arith.constant 0 : i32
      %dma_start3A_840 = tpu.memref_slice %arg6[%dma_start3A_837, %dma_start3A_838, %dma_start3A_839] : memref<5x128x128xf32, #tpu.memory_space<vmem>> -> memref<1x128x128xf32, #tpu.memory_space<vmem>>
      %dma_start3A_841 = tpu.memref_squeeze %dma_start3A_840 : memref<1x128x128xf32, #tpu.memory_space<vmem>> -> memref<128x128xf32, #tpu.memory_space<vmem>>
      %dma_start3A_842 = arith.constant 0 : i32
      %dma_start3A_843 = tpu.memref_slice %arg5[%add3A_836, %dma_start3A_842] : memref<200x128xi32, #tpu.memory_space<vmem>> -> memref<1x128xi32, #tpu.memory_space<vmem>>
      %dma_start3A_844 = tpu.memref_squeeze %dma_start3A_843 : memref<1x128xi32, #tpu.memory_space<vmem>> -> memref<128xi32, #tpu.memory_space<vmem>>
      %dma_start3A_845 = arith.constant 0 : i32
      %dma_start3A_846 = arith.constant 0 : i32
      %dma_start3A_847 = tpu.memref_slice %arg2[%dma_start3A_845, %dma_start3A_846] : memref<1000000x128xf32, #tpu.memory_space<hbm>> -> memref<1000000x128xf32, #tpu.memory_space<hbm>>
      tpu.enqueue_indirect_dma source(%dma_start3A_847 : memref<1000000x128xf32, #tpu.memory_space<hbm>>) target(%dma_start3A_841 : memref<128x128xf32, #tpu.memory_space<vmem>>) offsets(%dma_start3A_844 : memref<128xi32, #tpu.memory_space<vmem>>) semaphore(%arg7 : memref<!tpu.dma_semaphore, #tpu.memory_space<semaphore_mem>>)
    }
    %scan3A_308 = arith.constant 38 : i32
    %dma_wait3A_309 = arith.constant 195 : i32
    %dma_wait3A_310 = arith.constant 0 : i32
    %dma_wait3A_311 = arith.constant 0 : i32
    %dma_wait3A_312 = arith.constant 0 : i32
    %dma_wait3A_313 = tpu.memref_slice %arg6[%dma_wait3A_310, %dma_wait3A_311, %dma_wait3A_312] : memref<5x128x128xf32, #tpu.memory_space<vmem>> -> memref<1x128x128xf32, #tpu.memory_space<vmem>>
    %dma_wait3A_314 = tpu.memref_squeeze %dma_wait3A_313 : memref<1x128x128xf32, #tpu.memory_space<vmem>> -> memref<128x128xf32, #tpu.memory_space<vmem>>
    %dma_wait3A_315 = arith.constant 0 : i32
    %dma_wait3A_316 = tpu.memref_slice %arg5[%dma_wait3A_309, %dma_wait3A_315] : memref<200x128xi32, #tpu.memory_space<vmem>> -> memref<1x128xi32, #tpu.memory_space<vmem>>
    %dma_wait3A_317 = tpu.memref_squeeze %dma_wait3A_316 : memref<1x128xi32, #tpu.memory_space<vmem>> -> memref<128xi32, #tpu.memory_space<vmem>>
    %dma_wait3A_318 = arith.constant 0 : i32
    %dma_wait3A_319 = arith.constant 0 : i32
    %dma_wait3A_320 = tpu.memref_slice %arg2[%dma_wait3A_318, %dma_wait3A_319] : memref<1000000x128xf32, #tpu.memory_space<hbm>> -> memref<1000000x128xf32, #tpu.memory_space<hbm>>
    tpu.wait_indirect_dma semaphore(%arg7 : memref<!tpu.dma_semaphore, #tpu.memory_space<semaphore_mem>>) src(%dma_wait3A_320 : memref<1000000x128xf32, #tpu.memory_space<hbm>>) dst(%dma_wait3A_314 : memref<128x128xf32, #tpu.memory_space<vmem>>)
    %add3A_321 = arith.constant 24960 : i32
    %add3A_322 = arith.addi %mul3A_2, %add3A_321 : i32
    %dma_start3A_323 = arith.constant 0 : i32
    %dma_start3A_324 = arith.constant 0 : i32
    %dma_start3A_325 = arith.constant 0 : i32
    %dma_start3A_326 = tpu.memref_slice %arg6[%dma_start3A_323, %dma_start3A_324, %dma_start3A_325] : memref<5x128x128xf32, #tpu.memory_space<vmem>> -> memref<1x128x128xf32, #tpu.memory_space<vmem>>
    %dma_start3A_327 = tpu.memref_squeeze %dma_start3A_326 : memref<1x128x128xf32, #tpu.memory_space<vmem>> -> memref<128x128xf32, #tpu.memory_space<vmem>>
    %dma_start3A_328 = arith.constant 0 : i32
    %dma_start3A_329 = tpu.memref_slice %arg4[%add3A_322, %dma_start3A_328] : memref<819200x128xf32, #tpu.memory_space<hbm>> -> memref<128x128xf32, #tpu.memory_space<hbm>>
    %dma_start3A_330 = arith.constant 0 : i32
    %dma_start3A_331 = tpu.memref_slice %arg4[%add3A_322, %dma_start3A_330] : memref<819200x128xf32, #tpu.memory_space<hbm>> -> memref<128x128xf32, #tpu.memory_space<hbm>>
    %dma_start3A_332 = arith.constant 0 : i32
    %dma_start3A_333 = arith.constant 0 : i32
    %dma_start3A_334 = tpu.memref_slice %arg6[%dma_start3A_323, %dma_start3A_332, %dma_start3A_333] : memref<5x128x128xf32, #tpu.memory_space<vmem>> -> memref<1x128x128xf32, #tpu.memory_space<vmem>>
    %dma_start3A_335 = tpu.memref_squeeze %dma_start3A_334 : memref<1x128x128xf32, #tpu.memory_space<vmem>> -> memref<128x128xf32, #tpu.memory_space<vmem>>
    tpu.enqueue_dma source(%dma_start3A_335 : memref<128x128xf32, #tpu.memory_space<vmem>>) target(%dma_start3A_331 : memref<128x128xf32, #tpu.memory_space<hbm>>) target_semaphore(%arg8 : memref<!tpu.dma_semaphore, #tpu.memory_space<semaphore_mem>>)
    %add3A_336 = arith.constant 24832 : i32
    %add3A_337 = arith.addi %mul3A_2, %add3A_336 : i32
    %dma_wait3A_338 = arith.constant 4 : i32
    %dma_wait3A_339 = arith.constant 0 : i32
    %dma_wait3A_340 = arith.constant 0 : i32
    %dma_wait3A_341 = tpu.memref_slice %arg6[%dma_wait3A_338, %dma_wait3A_339, %dma_wait3A_340] : memref<5x128x128xf32, #tpu.memory_space<vmem>> -> memref<1x128x128xf32, #tpu.memory_space<vmem>>
    %dma_wait3A_342 = tpu.memref_squeeze %dma_wait3A_341 : memref<1x128x128xf32, #tpu.memory_space<vmem>> -> memref<128x128xf32, #tpu.memory_space<vmem>>
    %dma_wait3A_343 = arith.constant 0 : i32
    %dma_wait3A_344 = tpu.memref_slice %arg4[%add3A_337, %dma_wait3A_343] : memref<819200x128xf32, #tpu.memory_space<hbm>> -> memref<128x128xf32, #tpu.memory_space<hbm>>
    %dma_wait3A_345 = arith.constant 0 : i32
    %dma_wait3A_346 = tpu.memref_slice %arg4[%add3A_337, %dma_wait3A_345] : memref<819200x128xf32, #tpu.memory_space<hbm>> -> memref<128x128xf32, #tpu.memory_space<hbm>>
    %dma_wait3A_347 = arith.constant 0 : i32
    %dma_wait3A_348 = arith.constant 0 : i32
    %dma_wait3A_349 = tpu.memref_slice %arg6[%dma_wait3A_338, %dma_wait3A_347, %dma_wait3A_348] : memref<5x128x128xf32, #tpu.memory_space<vmem>> -> memref<1x128x128xf32, #tpu.memory_space<vmem>>
    %dma_wait3A_350 = tpu.memref_squeeze %dma_wait3A_349 : memref<1x128x128xf32, #tpu.memory_space<vmem>> -> memref<128x128xf32, #tpu.memory_space<vmem>>
    tpu.wait_dma2 semaphore(%arg8 : memref<!tpu.dma_semaphore, #tpu.memory_space<semaphore_mem>>) src(%dma_wait3A_350 : memref<128x128xf32, #tpu.memory_space<vmem>>) dst(%dma_wait3A_346 : memref<128x128xf32, #tpu.memory_space<hbm>>)
    %dma_start3A_351 = arith.constant 199 : i32
    %dma_start3A_352 = arith.constant 4 : i32
    %dma_start3A_353 = arith.constant 0 : i32
    %dma_start3A_354 = arith.constant 0 : i32
    %dma_start3A_355 = tpu.memref_slice %arg6[%dma_start3A_352, %dma_start3A_353, %dma_start3A_354] : memref<5x128x128xf32, #tpu.memory_space<vmem>> -> memref<1x128x128xf32, #tpu.memory_space<vmem>>
    %dma_start3A_356 = tpu.memref_squeeze %dma_start3A_355 : memref<1x128x128xf32, #tpu.memory_space<vmem>> -> memref<128x128xf32, #tpu.memory_space<vmem>>
    %dma_start3A_357 = arith.constant 0 : i32
    %dma_start3A_358 = tpu.memref_slice %arg5[%dma_start3A_351, %dma_start3A_357] : memref<200x128xi32, #tpu.memory_space<vmem>> -> memref<1x128xi32, #tpu.memory_space<vmem>>
    %dma_start3A_359 = tpu.memref_squeeze %dma_start3A_358 : memref<1x128xi32, #tpu.memory_space<vmem>> -> memref<128xi32, #tpu.memory_space<vmem>>
    %dma_start3A_360 = arith.constant 0 : i32
    %dma_start3A_361 = arith.constant 0 : i32
    %dma_start3A_362 = tpu.memref_slice %arg2[%dma_start3A_360, %dma_start3A_361] : memref<1000000x128xf32, #tpu.memory_space<hbm>> -> memref<1000000x128xf32, #tpu.memory_space<hbm>>
    tpu.enqueue_indirect_dma source(%dma_start3A_362 : memref<1000000x128xf32, #tpu.memory_space<hbm>>) target(%dma_start3A_356 : memref<128x128xf32, #tpu.memory_space<vmem>>) offsets(%dma_start3A_359 : memref<128xi32, #tpu.memory_space<vmem>>) semaphore(%arg7 : memref<!tpu.dma_semaphore, #tpu.memory_space<semaphore_mem>>)
    %dma_wait3A_363 = arith.constant 196 : i32
    %dma_wait3A_364 = arith.constant 1 : i32
    %dma_wait3A_365 = arith.constant 0 : i32
    %dma_wait3A_366 = arith.constant 0 : i32
    %dma_wait3A_367 = tpu.memref_slice %arg6[%dma_wait3A_364, %dma_wait3A_365, %dma_wait3A_366] : memref<5x128x128xf32, #tpu.memory_space<vmem>> -> memref<1x128x128xf32, #tpu.memory_space<vmem>>
    %dma_wait3A_368 = tpu.memref_squeeze %dma_wait3A_367 : memref<1x128x128xf32, #tpu.memory_space<vmem>> -> memref<128x128xf32, #tpu.memory_space<vmem>>
    %dma_wait3A_369 = arith.constant 0 : i32
    %dma_wait3A_370 = tpu.memref_slice %arg5[%dma_wait3A_363, %dma_wait3A_369] : memref<200x128xi32, #tpu.memory_space<vmem>> -> memref<1x128xi32, #tpu.memory_space<vmem>>
    %dma_wait3A_371 = tpu.memref_squeeze %dma_wait3A_370 : memref<1x128xi32, #tpu.memory_space<vmem>> -> memref<128xi32, #tpu.memory_space<vmem>>
    %dma_wait3A_372 = arith.constant 0 : i32
    %dma_wait3A_373 = arith.constant 0 : i32
    %dma_wait3A_374 = tpu.memref_slice %arg2[%dma_wait3A_372, %dma_wait3A_373] : memref<1000000x128xf32, #tpu.memory_space<hbm>> -> memref<1000000x128xf32, #tpu.memory_space<hbm>>
    tpu.wait_indirect_dma semaphore(%arg7 : memref<!tpu.dma_semaphore, #tpu.memory_space<semaphore_mem>>) src(%dma_wait3A_374 : memref<1000000x128xf32, #tpu.memory_space<hbm>>) dst(%dma_wait3A_368 : memref<128x128xf32, #tpu.memory_space<vmem>>)
    %add3A_375 = arith.constant 25088 : i32
    %add3A_376 = arith.addi %mul3A_2, %add3A_375 : i32
    %dma_start3A_377 = arith.constant 1 : i32
    %dma_start3A_378 = arith.constant 0 : i32
    %dma_start3A_379 = arith.constant 0 : i32
    %dma_start3A_380 = tpu.memref_slice %arg6[%dma_start3A_377, %dma_start3A_378, %dma_start3A_379] : memref<5x128x128xf32, #tpu.memory_space<vmem>> -> memref<1x128x128xf32, #tpu.memory_space<vmem>>
    %dma_start3A_381 = tpu.memref_squeeze %dma_start3A_380 : memref<1x128x128xf32, #tpu.memory_space<vmem>> -> memref<128x128xf32, #tpu.memory_space<vmem>>
    %dma_start3A_382 = arith.constant 0 : i32
    %dma_start3A_383 = tpu.memref_slice %arg4[%add3A_376, %dma_start3A_382] : memref<819200x128xf32, #tpu.memory_space<hbm>> -> memref<128x128xf32, #tpu.memory_space<hbm>>
    %dma_start3A_384 = arith.constant 0 : i32
    %dma_start3A_385 = tpu.memref_slice %arg4[%add3A_376, %dma_start3A_384] : memref<819200x128xf32, #tpu.memory_space<hbm>> -> memref<128x128xf32, #tpu.memory_space<hbm>>
    %dma_start3A_386 = arith.constant 0 : i32
    %dma_start3A_387 = arith.constant 0 : i32
    %dma_start3A_388 = tpu.memref_slice %arg6[%dma_start3A_377, %dma_start3A_386, %dma_start3A_387] : memref<5x128x128xf32, #tpu.memory_space<vmem>> -> memref<1x128x128xf32, #tpu.memory_space<vmem>>
    %dma_start3A_389 = tpu.memref_squeeze %dma_start3A_388 : memref<1x128x128xf32, #tpu.memory_space<vmem>> -> memref<128x128xf32, #tpu.memory_space<vmem>>
    tpu.enqueue_dma source(%dma_start3A_389 : memref<128x128xf32, #tpu.memory_space<vmem>>) target(%dma_start3A_385 : memref<128x128xf32, #tpu.memory_space<hbm>>) target_semaphore(%arg8 : memref<!tpu.dma_semaphore, #tpu.memory_space<semaphore_mem>>)
    %add3A_390 = arith.constant 24960 : i32
    %add3A_391 = arith.addi %mul3A_2, %add3A_390 : i32
    %dma_wait3A_392 = arith.constant 0 : i32
    %dma_wait3A_393 = arith.constant 0 : i32
    %dma_wait3A_394 = arith.constant 0 : i32
    %dma_wait3A_395 = tpu.memref_slice %arg6[%dma_wait3A_392, %dma_wait3A_393, %dma_wait3A_394] : memref<5x128x128xf32, #tpu.memory_space<vmem>> -> memref<1x128x128xf32, #tpu.memory_space<vmem>>
    %dma_wait3A_396 = tpu.memref_squeeze %dma_wait3A_395 : memref<1x128x128xf32, #tpu.memory_space<vmem>> -> memref<128x128xf32, #tpu.memory_space<vmem>>
    %dma_wait3A_397 = arith.constant 0 : i32
    %dma_wait3A_398 = tpu.memref_slice %arg4[%add3A_391, %dma_wait3A_397] : memref<819200x128xf32, #tpu.memory_space<hbm>> -> memref<128x128xf32, #tpu.memory_space<hbm>>
    %dma_wait3A_399 = arith.constant 0 : i32
    %dma_wait3A_400 = tpu.memref_slice %arg4[%add3A_391, %dma_wait3A_399] : memref<819200x128xf32, #tpu.memory_space<hbm>> -> memref<128x128xf32, #tpu.memory_space<hbm>>
    %dma_wait3A_401 = arith.constant 0 : i32
    %dma_wait3A_402 = arith.constant 0 : i32
    %dma_wait3A_403 = tpu.memref_slice %arg6[%dma_wait3A_392, %dma_wait3A_401, %dma_wait3A_402] : memref<5x128x128xf32, #tpu.memory_space<vmem>> -> memref<1x128x128xf32, #tpu.memory_space<vmem>>
    %dma_wait3A_404 = tpu.memref_squeeze %dma_wait3A_403 : memref<1x128x128xf32, #tpu.memory_space<vmem>> -> memref<128x128xf32, #tpu.memory_space<vmem>>
    tpu.wait_dma2 semaphore(%arg8 : memref<!tpu.dma_semaphore, #tpu.memory_space<semaphore_mem>>) src(%dma_wait3A_404 : memref<128x128xf32, #tpu.memory_space<vmem>>) dst(%dma_wait3A_400 : memref<128x128xf32, #tpu.memory_space<hbm>>)
    %dma_wait3A_405 = arith.constant 197 : i32
    %dma_wait3A_406 = arith.constant 2 : i32
    %dma_wait3A_407 = arith.constant 0 : i32
    %dma_wait3A_408 = arith.constant 0 : i32
    %dma_wait3A_409 = tpu.memref_slice %arg6[%dma_wait3A_406, %dma_wait3A_407, %dma_wait3A_408] : memref<5x128x128xf32, #tpu.memory_space<vmem>> -> memref<1x128x128xf32, #tpu.memory_space<vmem>>
    %dma_wait3A_410 = tpu.memref_squeeze %dma_wait3A_409 : memref<1x128x128xf32, #tpu.memory_space<vmem>> -> memref<128x128xf32, #tpu.memory_space<vmem>>
    %dma_wait3A_411 = arith.constant 0 : i32
    %dma_wait3A_412 = tpu.memref_slice %arg5[%dma_wait3A_405, %dma_wait3A_411] : memref<200x128xi32, #tpu.memory_space<vmem>> -> memref<1x128xi32, #tpu.memory_space<vmem>>
    %dma_wait3A_413 = tpu.memref_squeeze %dma_wait3A_412 : memref<1x128xi32, #tpu.memory_space<vmem>> -> memref<128xi32, #tpu.memory_space<vmem>>
    %dma_wait3A_414 = arith.constant 0 : i32
    %dma_wait3A_415 = arith.constant 0 : i32
    %dma_wait3A_416 = tpu.memref_slice %arg2[%dma_wait3A_414, %dma_wait3A_415] : memref<1000000x128xf32, #tpu.memory_space<hbm>> -> memref<1000000x128xf32, #tpu.memory_space<hbm>>
    tpu.wait_indirect_dma semaphore(%arg7 : memref<!tpu.dma_semaphore, #tpu.memory_space<semaphore_mem>>) src(%dma_wait3A_416 : memref<1000000x128xf32, #tpu.memory_space<hbm>>) dst(%dma_wait3A_410 : memref<128x128xf32, #tpu.memory_space<vmem>>)
    %add3A_417 = arith.constant 25216 : i32
    %add3A_418 = arith.addi %mul3A_2, %add3A_417 : i32
    %dma_start3A_419 = arith.constant 2 : i32
    %dma_start3A_420 = arith.constant 0 : i32
    %dma_start3A_421 = arith.constant 0 : i32
    %dma_start3A_422 = tpu.memref_slice %arg6[%dma_start3A_419, %dma_start3A_420, %dma_start3A_421] : memref<5x128x128xf32, #tpu.memory_space<vmem>> -> memref<1x128x128xf32, #tpu.memory_space<vmem>>
    %dma_start3A_423 = tpu.memref_squeeze %dma_start3A_422 : memref<1x128x128xf32, #tpu.memory_space<vmem>> -> memref<128x128xf32, #tpu.memory_space<vmem>>
    %dma_start3A_424 = arith.constant 0 : i32
    %dma_start3A_425 = tpu.memref_slice %arg4[%add3A_418, %dma_start3A_424] : memref<819200x128xf32, #tpu.memory_space<hbm>> -> memref<128x128xf32, #tpu.memory_space<hbm>>
    %dma_start3A_426 = arith.constant 0 : i32
    %dma_start3A_427 = tpu.memref_slice %arg4[%add3A_418, %dma_start3A_426] : memref<819200x128xf32, #tpu.memory_space<hbm>> -> memref<128x128xf32, #tpu.memory_space<hbm>>
    %dma_start3A_428 = arith.constant 0 : i32
    %dma_start3A_429 = arith.constant 0 : i32
    %dma_start3A_430 = tpu.memref_slice %arg6[%dma_start3A_419, %dma_start3A_428, %dma_start3A_429] : memref<5x128x128xf32, #tpu.memory_space<vmem>> -> memref<1x128x128xf32, #tpu.memory_space<vmem>>
    %dma_start3A_431 = tpu.memref_squeeze %dma_start3A_430 : memref<1x128x128xf32, #tpu.memory_space<vmem>> -> memref<128x128xf32, #tpu.memory_space<vmem>>
    tpu.enqueue_dma source(%dma_start3A_431 : memref<128x128xf32, #tpu.memory_space<vmem>>) target(%dma_start3A_427 : memref<128x128xf32, #tpu.memory_space<hbm>>) target_semaphore(%arg8 : memref<!tpu.dma_semaphore, #tpu.memory_space<semaphore_mem>>)
    %add3A_432 = arith.constant 25088 : i32
    %add3A_433 = arith.addi %mul3A_2, %add3A_432 : i32
    %dma_wait3A_434 = arith.constant 1 : i32
    %dma_wait3A_435 = arith.constant 0 : i32
    %dma_wait3A_436 = arith.constant 0 : i32
    %dma_wait3A_437 = tpu.memref_slice %arg6[%dma_wait3A_434, %dma_wait3A_435, %dma_wait3A_436] : memref<5x128x128xf32, #tpu.memory_space<vmem>> -> memref<1x128x128xf32, #tpu.memory_space<vmem>>
    %dma_wait3A_438 = tpu.memref_squeeze %dma_wait3A_437 : memref<1x128x128xf32, #tpu.memory_space<vmem>> -> memref<128x128xf32, #tpu.memory_space<vmem>>
    %dma_wait3A_439 = arith.constant 0 : i32
    %dma_wait3A_440 = tpu.memref_slice %arg4[%add3A_433, %dma_wait3A_439] : memref<819200x128xf32, #tpu.memory_space<hbm>> -> memref<128x128xf32, #tpu.memory_space<hbm>>
    %dma_wait3A_441 = arith.constant 0 : i32
    %dma_wait3A_442 = tpu.memref_slice %arg4[%add3A_433, %dma_wait3A_441] : memref<819200x128xf32, #tpu.memory_space<hbm>> -> memref<128x128xf32, #tpu.memory_space<hbm>>
    %dma_wait3A_443 = arith.constant 0 : i32
    %dma_wait3A_444 = arith.constant 0 : i32
    %dma_wait3A_445 = tpu.memref_slice %arg6[%dma_wait3A_434, %dma_wait3A_443, %dma_wait3A_444] : memref<5x128x128xf32, #tpu.memory_space<vmem>> -> memref<1x128x128xf32, #tpu.memory_space<vmem>>
    %dma_wait3A_446 = tpu.memref_squeeze %dma_wait3A_445 : memref<1x128x128xf32, #tpu.memory_space<vmem>> -> memref<128x128xf32, #tpu.memory_space<vmem>>
    tpu.wait_dma2 semaphore(%arg8 : memref<!tpu.dma_semaphore, #tpu.memory_space<semaphore_mem>>) src(%dma_wait3A_446 : memref<128x128xf32, #tpu.memory_space<vmem>>) dst(%dma_wait3A_442 : memref<128x128xf32, #tpu.memory_space<hbm>>)
    %dma_wait3A_447 = arith.constant 198 : i32
    %dma_wait3A_448 = arith.constant 3 : i32
    %dma_wait3A_449 = arith.constant 0 : i32
    %dma_wait3A_450 = arith.constant 0 : i32
    %dma_wait3A_451 = tpu.memref_slice %arg6[%dma_wait3A_448, %dma_wait3A_449, %dma_wait3A_450] : memref<5x128x128xf32, #tpu.memory_space<vmem>> -> memref<1x128x128xf32, #tpu.memory_space<vmem>>
    %dma_wait3A_452 = tpu.memref_squeeze %dma_wait3A_451 : memref<1x128x128xf32, #tpu.memory_space<vmem>> -> memref<128x128xf32, #tpu.memory_space<vmem>>
    %dma_wait3A_453 = arith.constant 0 : i32
    %dma_wait3A_454 = tpu.memref_slice %arg5[%dma_wait3A_447, %dma_wait3A_453] : memref<200x128xi32, #tpu.memory_space<vmem>> -> memref<1x128xi32, #tpu.memory_space<vmem>>
    %dma_wait3A_455 = tpu.memref_squeeze %dma_wait3A_454 : memref<1x128xi32, #tpu.memory_space<vmem>> -> memref<128xi32, #tpu.memory_space<vmem>>
    %dma_wait3A_456 = arith.constant 0 : i32
    %dma_wait3A_457 = arith.constant 0 : i32
    %dma_wait3A_458 = tpu.memref_slice %arg2[%dma_wait3A_456, %dma_wait3A_457] : memref<1000000x128xf32, #tpu.memory_space<hbm>> -> memref<1000000x128xf32, #tpu.memory_space<hbm>>
    tpu.wait_indirect_dma semaphore(%arg7 : memref<!tpu.dma_semaphore, #tpu.memory_space<semaphore_mem>>) src(%dma_wait3A_458 : memref<1000000x128xf32, #tpu.memory_space<hbm>>) dst(%dma_wait3A_452 : memref<128x128xf32, #tpu.memory_space<vmem>>)
    %add3A_459 = arith.constant 25344 : i32
    %add3A_460 = arith.addi %mul3A_2, %add3A_459 : i32
    %dma_start3A_461 = arith.constant 3 : i32
    %dma_start3A_462 = arith.constant 0 : i32
    %dma_start3A_463 = arith.constant 0 : i32
    %dma_start3A_464 = tpu.memref_slice %arg6[%dma_start3A_461, %dma_start3A_462, %dma_start3A_463] : memref<5x128x128xf32, #tpu.memory_space<vmem>> -> memref<1x128x128xf32, #tpu.memory_space<vmem>>
    %dma_start3A_465 = tpu.memref_squeeze %dma_start3A_464 : memref<1x128x128xf32, #tpu.memory_space<vmem>> -> memref<128x128xf32, #tpu.memory_space<vmem>>
    %dma_start3A_466 = arith.constant 0 : i32
    %dma_start3A_467 = tpu.memref_slice %arg4[%add3A_460, %dma_start3A_466] : memref<819200x128xf32, #tpu.memory_space<hbm>> -> memref<128x128xf32, #tpu.memory_space<hbm>>
    %dma_start3A_468 = arith.constant 0 : i32
    %dma_start3A_469 = tpu.memref_slice %arg4[%add3A_460, %dma_start3A_468] : memref<819200x128xf32, #tpu.memory_space<hbm>> -> memref<128x128xf32, #tpu.memory_space<hbm>>
    %dma_start3A_470 = arith.constant 0 : i32
    %dma_start3A_471 = arith.constant 0 : i32
    %dma_start3A_472 = tpu.memref_slice %arg6[%dma_start3A_461, %dma_start3A_470, %dma_start3A_471] : memref<5x128x128xf32, #tpu.memory_space<vmem>> -> memref<1x128x128xf32, #tpu.memory_space<vmem>>
    %dma_start3A_473 = tpu.memref_squeeze %dma_start3A_472 : memref<1x128x128xf32, #tpu.memory_space<vmem>> -> memref<128x128xf32, #tpu.memory_space<vmem>>
    tpu.enqueue_dma source(%dma_start3A_473 : memref<128x128xf32, #tpu.memory_space<vmem>>) target(%dma_start3A_469 : memref<128x128xf32, #tpu.memory_space<hbm>>) target_semaphore(%arg8 : memref<!tpu.dma_semaphore, #tpu.memory_space<semaphore_mem>>)
    %add3A_474 = arith.constant 25216 : i32
    %add3A_475 = arith.addi %mul3A_2, %add3A_474 : i32
    %dma_wait3A_476 = arith.constant 2 : i32
    %dma_wait3A_477 = arith.constant 0 : i32
    %dma_wait3A_478 = arith.constant 0 : i32
    %dma_wait3A_479 = tpu.memref_slice %arg6[%dma_wait3A_476, %dma_wait3A_477, %dma_wait3A_478] : memref<5x128x128xf32, #tpu.memory_space<vmem>> -> memref<1x128x128xf32, #tpu.memory_space<vmem>>
    %dma_wait3A_480 = tpu.memref_squeeze %dma_wait3A_479 : memref<1x128x128xf32, #tpu.memory_space<vmem>> -> memref<128x128xf32, #tpu.memory_space<vmem>>
    %dma_wait3A_481 = arith.constant 0 : i32
    %dma_wait3A_482 = tpu.memref_slice %arg4[%add3A_475, %dma_wait3A_481] : memref<819200x128xf32, #tpu.memory_space<hbm>> -> memref<128x128xf32, #tpu.memory_space<hbm>>
    %dma_wait3A_483 = arith.constant 0 : i32
    %dma_wait3A_484 = tpu.memref_slice %arg4[%add3A_475, %dma_wait3A_483] : memref<819200x128xf32, #tpu.memory_space<hbm>> -> memref<128x128xf32, #tpu.memory_space<hbm>>
    %dma_wait3A_485 = arith.constant 0 : i32
    %dma_wait3A_486 = arith.constant 0 : i32
    %dma_wait3A_487 = tpu.memref_slice %arg6[%dma_wait3A_476, %dma_wait3A_485, %dma_wait3A_486] : memref<5x128x128xf32, #tpu.memory_space<vmem>> -> memref<1x128x128xf32, #tpu.memory_space<vmem>>
    %dma_wait3A_488 = tpu.memref_squeeze %dma_wait3A_487 : memref<1x128x128xf32, #tpu.memory_space<vmem>> -> memref<128x128xf32, #tpu.memory_space<vmem>>
    tpu.wait_dma2 semaphore(%arg8 : memref<!tpu.dma_semaphore, #tpu.memory_space<semaphore_mem>>) src(%dma_wait3A_488 : memref<128x128xf32, #tpu.memory_space<vmem>>) dst(%dma_wait3A_484 : memref<128x128xf32, #tpu.memory_space<hbm>>)
    %dma_wait3A_489 = arith.constant 199 : i32
    %dma_wait3A_490 = arith.constant 4 : i32
    %dma_wait3A_491 = arith.constant 0 : i32
    %dma_wait3A_492 = arith.constant 0 : i32
    %dma_wait3A_493 = tpu.memref_slice %arg6[%dma_wait3A_490, %dma_wait3A_491, %dma_wait3A_492] : memref<5x128x128xf32, #tpu.memory_space<vmem>> -> memref<1x128x128xf32, #tpu.memory_space<vmem>>
    %dma_wait3A_494 = tpu.memref_squeeze %dma_wait3A_493 : memref<1x128x128xf32, #tpu.memory_space<vmem>> -> memref<128x128xf32, #tpu.memory_space<vmem>>
    %dma_wait3A_495 = arith.constant 0 : i32
    %dma_wait3A_496 = tpu.memref_slice %arg5[%dma_wait3A_489, %dma_wait3A_495] : memref<200x128xi32, #tpu.memory_space<vmem>> -> memref<1x128xi32, #tpu.memory_space<vmem>>
    %dma_wait3A_497 = tpu.memref_squeeze %dma_wait3A_496 : memref<1x128xi32, #tpu.memory_space<vmem>> -> memref<128xi32, #tpu.memory_space<vmem>>
    %dma_wait3A_498 = arith.constant 0 : i32
    %dma_wait3A_499 = arith.constant 0 : i32
    %dma_wait3A_500 = tpu.memref_slice %arg2[%dma_wait3A_498, %dma_wait3A_499] : memref<1000000x128xf32, #tpu.memory_space<hbm>> -> memref<1000000x128xf32, #tpu.memory_space<hbm>>
    tpu.wait_indirect_dma semaphore(%arg7 : memref<!tpu.dma_semaphore, #tpu.memory_space<semaphore_mem>>) src(%dma_wait3A_500 : memref<1000000x128xf32, #tpu.memory_space<hbm>>) dst(%dma_wait3A_494 : memref<128x128xf32, #tpu.memory_space<vmem>>)
    %add3A_501 = arith.constant 25472 : i32
    %add3A_502 = arith.addi %mul3A_2, %add3A_501 : i32
    %dma_start3A_503 = arith.constant 4 : i32
    %dma_start3A_504 = arith.constant 0 : i32
    %dma_start3A_505 = arith.constant 0 : i32
    %dma_start3A_506 = tpu.memref_slice %arg6[%dma_start3A_503, %dma_start3A_504, %dma_start3A_505] : memref<5x128x128xf32, #tpu.memory_space<vmem>> -> memref<1x128x128xf32, #tpu.memory_space<vmem>>
    %dma_start3A_507 = tpu.memref_squeeze %dma_start3A_506 : memref<1x128x128xf32, #tpu.memory_space<vmem>> -> memref<128x128xf32, #tpu.memory_space<vmem>>
    %dma_start3A_508 = arith.constant 0 : i32
    %dma_start3A_509 = tpu.memref_slice %arg4[%add3A_502, %dma_start3A_508] : memref<819200x128xf32, #tpu.memory_space<hbm>> -> memref<128x128xf32, #tpu.memory_space<hbm>>
    %dma_start3A_510 = arith.constant 0 : i32
    %dma_start3A_511 = tpu.memref_slice %arg4[%add3A_502, %dma_start3A_510] : memref<819200x128xf32, #tpu.memory_space<hbm>> -> memref<128x128xf32, #tpu.memory_space<hbm>>
    %dma_start3A_512 = arith.constant 0 : i32
    %dma_start3A_513 = arith.constant 0 : i32
    %dma_start3A_514 = tpu.memref_slice %arg6[%dma_start3A_503, %dma_start3A_512, %dma_start3A_513] : memref<5x128x128xf32, #tpu.memory_space<vmem>> -> memref<1x128x128xf32, #tpu.memory_space<vmem>>
    %dma_start3A_515 = tpu.memref_squeeze %dma_start3A_514 : memref<1x128x128xf32, #tpu.memory_space<vmem>> -> memref<128x128xf32, #tpu.memory_space<vmem>>
    tpu.enqueue_dma source(%dma_start3A_515 : memref<128x128xf32, #tpu.memory_space<vmem>>) target(%dma_start3A_511 : memref<128x128xf32, #tpu.memory_space<hbm>>) target_semaphore(%arg8 : memref<!tpu.dma_semaphore, #tpu.memory_space<semaphore_mem>>)
    %add3A_516 = arith.constant 25344 : i32
    %add3A_517 = arith.addi %mul3A_2, %add3A_516 : i32
    %dma_wait3A_518 = arith.constant 3 : i32
    %dma_wait3A_519 = arith.constant 0 : i32
    %dma_wait3A_520 = arith.constant 0 : i32
    %dma_wait3A_521 = tpu.memref_slice %arg6[%dma_wait3A_518, %dma_wait3A_519, %dma_wait3A_520] : memref<5x128x128xf32, #tpu.memory_space<vmem>> -> memref<1x128x128xf32, #tpu.memory_space<vmem>>
    %dma_wait3A_522 = tpu.memref_squeeze %dma_wait3A_521 : memref<1x128x128xf32, #tpu.memory_space<vmem>> -> memref<128x128xf32, #tpu.memory_space<vmem>>
    %dma_wait3A_523 = arith.constant 0 : i32
    %dma_wait3A_524 = tpu.memref_slice %arg4[%add3A_517, %dma_wait3A_523] : memref<819200x128xf32, #tpu.memory_space<hbm>> -> memref<128x128xf32, #tpu.memory_space<hbm>>
    %dma_wait3A_525 = arith.constant 0 : i32
    %dma_wait3A_526 = tpu.memref_slice %arg4[%add3A_517, %dma_wait3A_525] : memref<819200x128xf32, #tpu.memory_space<hbm>> -> memref<128x128xf32, #tpu.memory_space<hbm>>
    %dma_wait3A_527 = arith.constant 0 : i32
    %dma_wait3A_528 = arith.constant 0 : i32
    %dma_wait3A_529 = tpu.memref_slice %arg6[%dma_wait3A_518, %dma_wait3A_527, %dma_wait3A_528] : memref<5x128x128xf32, #tpu.memory_space<vmem>> -> memref<1x128x128xf32, #tpu.memory_space<vmem>>
    %dma_wait3A_530 = tpu.memref_squeeze %dma_wait3A_529 : memref<1x128x128xf32, #tpu.memory_space<vmem>> -> memref<128x128xf32, #tpu.memory_space<vmem>>
    tpu.wait_dma2 semaphore(%arg8 : memref<!tpu.dma_semaphore, #tpu.memory_space<semaphore_mem>>) src(%dma_wait3A_530 : memref<128x128xf32, #tpu.memory_space<vmem>>) dst(%dma_wait3A_526 : memref<128x128xf32, #tpu.memory_space<hbm>>)
    %add3A_531 = arith.constant 25472 : i32
    %add3A_532 = arith.addi %mul3A_2, %add3A_531 : i32
    %dma_wait3A_533 = arith.constant 4 : i32
    %dma_wait3A_534 = arith.constant 0 : i32
    %dma_wait3A_535 = arith.constant 0 : i32
    %dma_wait3A_536 = tpu.memref_slice %arg6[%dma_wait3A_533, %dma_wait3A_534, %dma_wait3A_535] : memref<5x128x128xf32, #tpu.memory_space<vmem>> -> memref<1x128x128xf32, #tpu.memory_space<vmem>>
    %dma_wait3A_537 = tpu.memref_squeeze %dma_wait3A_536 : memref<1x128x128xf32, #tpu.memory_space<vmem>> -> memref<128x128xf32, #tpu.memory_space<vmem>>
    %dma_wait3A_538 = arith.constant 0 : i32
    %dma_wait3A_539 = tpu.memref_slice %arg4[%add3A_532, %dma_wait3A_538] : memref<819200x128xf32, #tpu.memory_space<hbm>> -> memref<128x128xf32, #tpu.memory_space<hbm>>
    %dma_wait3A_540 = arith.constant 0 : i32
    %dma_wait3A_541 = tpu.memref_slice %arg4[%add3A_532, %dma_wait3A_540] : memref<819200x128xf32, #tpu.memory_space<hbm>> -> memref<128x128xf32, #tpu.memory_space<hbm>>
    %dma_wait3A_542 = arith.constant 0 : i32
    %dma_wait3A_543 = arith.constant 0 : i32
    %dma_wait3A_544 = tpu.memref_slice %arg6[%dma_wait3A_533, %dma_wait3A_542, %dma_wait3A_543] : memref<5x128x128xf32, #tpu.memory_space<vmem>> -> memref<1x128x128xf32, #tpu.memory_space<vmem>>
    %dma_wait3A_545 = tpu.memref_squeeze %dma_wait3A_544 : memref<1x128x128xf32, #tpu.memory_space<vmem>> -> memref<128x128xf32, #tpu.memory_space<vmem>>
    tpu.wait_dma2 semaphore(%arg8 : memref<!tpu.dma_semaphore, #tpu.memory_space<semaphore_mem>>) src(%dma_wait3A_545 : memref<128x128xf32, #tpu.memory_space<vmem>>) dst(%dma_wait3A_541 : memref<128x128xf32, #tpu.memory_space<hbm>>)
    return
  }
}

</mosaic_0001>

<sc_bundles>
// kernel: kernel.3.cloned.1.call-start
scs
__scs_entry_jumppad:
0x0: {  	(pc) =	sbr.rel $0x88, $3  }
0x1: {  	(tag) =	ssettag $0x0;
	lr =	simm.s32 $0x1  }
0x2: {  	[smem:$0x3F9F] =	sst lr;
	_ =	strace $0xD0000000  }
0x3: {  	_ = 	snop  }
0x4: {  	_ = 	snop  }
0x5: {  	_ = 	snop  }
0x6: {  	_ = 	snop  }
0x7: {  	_ = 	snop  }
__scs_overlays_trampoline_lowered:
0x8: {  	[smem:$0x3FAE] =	sst s0  }
0x9: {  	[smem:$0x3FAF] =	sst s1  }
0xa: {  	[smem:$0x3FB0] =	sst s2  }
0xb: {  	[smem:$0x3FB1] =	sst s3  }
0xc: {  	[smem:$0x3FB2] =	sst s4  }
0xd: {  	[smem:$0x3FB3] =	sst s5  }
0xe: {  	[smem:$0x3FB4] =	sst s6  }
0xf: {  	[smem:$0x3FB5] =	sst s7  }
0x10: {  	[smem:$0x3FB6] =	sst s8  }
0x11: {  	[smem:$0x3FB7] =	sst s9;
	s0 =	simm.s32 @!p0 $0x0  }
0x12: {  	s1 =	sld [smem:$0x3F9D];
	s0 =	simm.s32 @p0 $0x1  }
0x13: {  	[smem:$0x3FB8] =	sst s0;
	s0 =	simm.s32 @!p1 $0x0  }
0x14: {  	s2 =	sld [smem:$0x3F9C];
	s0 =	simm.s32 @p1 $0x1  }
0x15: {  	[smem:$0x3FB9] =	sst s0;
	s0 =	simm.s32 @!p2 $0x0  }
0x16: {  	s3 =	sld [smem:$0x3FDB];
	s0 =	simm.s32 @p2 $0x1  }
0x17: {  	s4 =	simm.s32 $0x1BF5;
	[smem:$0x3FBB] =	sst s0  }
0x18: {  	s0 =	sld [smem:$0x3F9E];
	_ =	swait.ge [sflag:s4], $0x0  }
0x19: {  	s7 =	sld [smem:$0x3F9F]  }
0x1a: {  	s8 =	sadd.s32 $0xFFFFE003, lr  }
0x1b: {  	s9 =	sadd.s32 $0xFFFFFEF7, lr;
	s5 =	simm.s32 $0xFFFFFFFF;
	p2 =	slt.u32 s8, $0xFFFFF086  }
0x1c: {  	p1 =	slt.u32 s9, $0xF7A;
	s5 =	simm.s32 @!p2 $0x0  }
0x1d: {  	s5 =	simm.s32 @p1 $0x1;
	p0 =	seq.s32 s7, s2  }
0x1e: {  	s7 =	smul.u32 @!p0 $0xF7A, s2;
	p2 =	seq.s32 @!p0 s5, $0x0  }
0x1f: {  	s9 =	smul.u32 $0xF7A, s1;
	s8 =	simm.s32 @!p0 $0x1BF5;
	p2 =	por !p2, p0  }
0x20: {  	[sflag:s8] =	ssyncset.s32 @!p0 $0xFFFFF086;
	s6 =	sadd.s32 @!p0 s3, s7;
	s7 =	simm.s32 @!p0 $0x108  }
0x21: {  	s3 =	sadd.s32 s3, s9;
	s6 =	sadd.s32 @!p0 $0x88, s6;
	s7 =	simm.s32 @p2 $0x1082  }
0x22: {  	[simem:s7], [sflag:s8] =	dma.local @!p0 [hbm:s6], $0xF7A  }
0x23: {  	s9 =	sor.u32 $0xD0000000, s2;
	s6 =	simm.s32 $0x108;
	_ =	swait.ge @!p0 [sflag:s8], $0x0  }
0x24: {  	s3 =	sadd.s32 $0x88, s3;
	s6 =	simm.s32 @!p1 $0x1082;
	[sflag:s4] =	ssyncset.s32 $0xFFFFF086  }
0x25: {  	[simem:s6], [sflag:s4] =	dma.local [hbm:s3], $0xF7A  }
0x26: {  	[smem:$0x3F9F] =	sst s1;
	(tag) =	ssettag s2;
	_ =	strace s9  }
0x27: {  	s1 =	sld [smem:$0x3FAF]  }
0x28: {  	s2 =	sld [smem:$0x3FB0]  }
0x29: {  	s4 =	sld [smem:$0x3FB2]  }
0x2a: {  	p0 =	seq.s32 s5, $0x0;
	s5 =	sld [smem:$0x3FB3]  }
0x2b: {  	s6 =	sld [smem:$0x3FB4]  }
0x2c: {  	s7 =	sld [smem:$0x3FB5]  }
0x2d: {  	s3 =	simm.s32 $0x108;
	s8 =	sld [smem:$0x3FB6]  }
0x2e: {  	s3 =	simm.s32 @!p0 $0x1082;
	s9 =	sld [smem:$0x3FB7]  }
0x2f: {  	lr =	sadd.s32 s0, s3;
	s0 =	sld [smem:$0x3FAE]  }
0x30: {  	s3 =	sld [smem:$0x3FB1]  }
0x31: {  	[smem:$0x3FBA] =	sst s10  }
0x32: {  	s10 =	sld [smem:$0x3FB8];
	_ =	sdelay $0x3  }
0x33: {  	p0 =	seq.s32 s10, $0x1;
	s10 =	sld [smem:$0x3FBA];
	_ =	sdelay $0x3  }
0x34: {  	[smem:$0x3FBA] =	sst s10  }
0x35: {  	s10 =	sld [smem:$0x3FB9];
	_ =	sdelay $0x3  }
0x36: {  	p1 =	seq.s32 s10, $0x1;
	s10 =	sld [smem:$0x3FBA];
	_ =	sdelay $0x3  }
0x37: {  	[smem:$0x3FBA] =	sst s10  }
0x38: {  	s10 =	sld [smem:$0x3FBB]  }
0x39: {  	_ = 	snop;
	(pc) =	sbr.ind lr, $3  }
0x3a: {  	_ = 	snop  }
0x3b: {  	_ = 	snop  }
0x3c: {  	p2 =	seq.s32 s10, $0x1;
	s10 =	sld [smem:$0x3FBA]  }
0x3d: {  	_ =	shalt  }
0x3e: {  	_ =	shalt  }
0x3f: {  	_ =	shalt  }
0x40: {  	_ =	shalt  }
0x41: {  	_ =	shalt  }
0x42: {  	_ =	shalt  }
0x43: {  	_ =	shalt  }
0x44: {  	_ =	shalt  }
0x45: {  	_ =	shalt  }
0x46: {  	_ =	shalt  }
0x47: {  	_ =	shalt  }
0x48: {  	_ =	shalt  }
0x49: {  	_ =	shalt  }
0x4a: {  	_ =	shalt  }
0x4b: {  	_ =	shalt  }
0x4c: {  	_ =	shalt  }
0x4d: {  	_ =	shalt  }
0x4e: {  	_ =	shalt  }
0x4f: {  	_ =	shalt  }
0x50: {  	_ =	shalt  }
0x51: {  	_ =	shalt  }
0x52: {  	_ =	shalt  }
0x53: {  	_ =	shalt  }
0x54: {  	_ =	shalt  }
0x55: {  	_ =	shalt  }
0x56: {  	_ =	shalt  }
0x57: {  	_ =	shalt  }
0x58: {  	_ =	shalt  }
0x59: {  	_ =	shalt  }
0x5a: {  	_ =	shalt  }
0x5b: {  	_ =	shalt  }
0x5c: {  	_ =	shalt  }
0x5d: {  	_ =	shalt  }
0x5e: {  	_ =	shalt  }
0x5f: {  	_ =	shalt  }
0x60: {  	_ =	shalt  }
0x61: {  	_ =	shalt  }
0x62: {  	_ =	shalt  }
0x63: {  	_ =	shalt  }
0x64: {  	_ =	shalt  }
0x65: {  	_ =	shalt  }
0x66: {  	_ =	shalt  }
0x67: {  	_ =	shalt  }
0x68: {  	_ =	shalt  }
0x69: {  	_ =	shalt  }
0x6a: {  	_ =	shalt  }
0x6b: {  	_ =	shalt  }
0x6c: {  	_ =	shalt  }
0x6d: {  	_ =	shalt  }
0x6e: {  	_ =	shalt  }
0x6f: {  	_ =	shalt  }
0x70: {  	_ =	shalt  }
0x71: {  	_ =	shalt  }
0x72: {  	_ =	shalt  }
0x73: {  	_ =	shalt  }
0x74: {  	_ =	shalt  }
0x75: {  	_ =	shalt  }
0x76: {  	_ =	shalt  }
0x77: {  	_ =	shalt  }
0x78: {  	_ =	shalt  }
0x79: {  	_ =	shalt  }
0x7a: {  	_ =	shalt  }
0x7b: {  	_ =	shalt  }
0x7c: {  	_ =	shalt  }
0x7d: {  	_ =	shalt  }
0x7e: {  	_ =	shalt  }
0x7f: {  	_ =	shalt  }
0x80: {  	_ =	shalt  }
0x81: {  	_ =	shalt  }
0x82: {  	_ =	shalt  }
0x83: {  	_ =	shalt  }
0x84: {  	_ =	shalt  }
0x85: {  	_ =	shalt  }
0x86: {  	_ =	shalt  }
0x87: {  	_ =	shalt  }
.Lfunc_end0:
.L_simem_size_0:
called_computation.1_lowered:
.L_overlay_start_0:
0x88: {  	s2 =	sld [smem:$0x3FD9]  }
0x89: {  	s3 =	sld [smem:$0x3FFE];
	_ =	sdelay $0x1  }
0x8a: {  	s1 =	srdreg.scid  }
0x8b: {  	s0 =	sand.u32 $0x1, s1  }
0x8c: {  	s17 =	sshll.u32 s0, $0xA;
	s2 =	sadd.s32 s3, s2  }
0x8d: {  	s2 =	sadd.s32 s2, s17  }
0x8e: {  	[smem:$0x3FC6] =	sst s2  }
0x8f: {  	_ = 	snop  }
0x90: {  	s2 =	sld [smem:$0x3FD0];
	(tm) =	ssettm $0x1  }
0x91: {  	s18 =	sld [smem:$0x3FFB];
	_ =	sdelay $0x3  }
0x92: {  	_ =	strace s18  }
0x93: {  	s3 =	sld [smem:$0x3FFC];
	_ =	sdelay $0x3  }
0x94: {  	_ =	strace s3  }
0x95: {  	s3 =	sld [smem:$0x3FFD];
	_ =	sdelay $0x3  }
0x96: {  	_ =	strace s3  }
0x97: {  	_ =	strace $0x8FFFFFFF  }
0x98: {  	s19 =	sld [smem:$0x3FDB];
	_ =	sdelay $0x1  }
0x99: {  	s4 =	simm.s32 $_scs_section_size  }
0x9a: {  	s5 =	simm.s32 $_size__tile_overlayer_lowered;
	s6 =	simm.s32 $_tile_overlayer_lowered  }
0x9b: {  	s22 =	simm.s32 $0x1BFF;
	s21 =	sshll.u32 s6, $0x1;
	s3 =	sadd.s32 s4, s19  }
0x9c: {  	s7 =	simm.s32 $0x0;
	s20 =	sshll.u32 s5, $0x1;
	s5 =	sadd.s32 s21, s3  }
0x9d: {  	[timem:s7], [sflag:s22] =	dma.local [hbm:s5], s20  }
0x9e: {  	_ =	swait.ge [sflag:s22], s20  }
0x9f: {  	s4 =	ssub.s32 $0x0, s20;
	[sflag:s22] =	ssyncset.done $0x0  }
0xa0: {  	[sflag:s22] =	ssyncadd.s32 s4;
	_ =	sdelay $0x1  }
0xa1: {  	s23 =	simm.s32 $0x1B8B  }
0xa2: {  	_ =	swait.ge [sflag:s23], $0x1  }
0xa3: {  	[sflag:s23] =	ssyncset.done $0x0  }
0xa4: {  	s25 =	simm.s32 $0x1B8E;
	s24 =	sld [smem:$0x3FFE];
	[sflag:s23] =	ssyncadd.s32 $0xFFFFFFFF  }
0xa5: {  	s26 =	simm.s32 $execute0_lowered;
	[smem:$0x3FD2] =	sst s25  }
0xa6: {  	s5 =	sshll.u32 s26, $0x1;
	_ =	strace $0x80000046;
	[dreg:$0x1] =	wrdreg $0xFFFFFFFF  }
0xa7: {  	s28 =	simm.s32 $_size_execute0_lowered;
	s3 =	sadd.s32 s3, s5;
	[dreg:$0x0] =	wrdreg $0x0  }
0xa8: {  	s5 =	sshll.u32 s28, $0x1;
	[dreg:$0x2] =	wrdreg s3  }
0xa9: {  	[dreg:$0x3] =	wrdreg s5  }
0xaa: {  	[dreg:$0x4] =	wrdreg $0xC0  }
0xab: {  	_ =	task [dreg:s7], $0x5FFFF  }
0xac: {  	[dreg:$0x1] =	wrdreg $0xFFFFFFFF  }
0xad: {  	[dreg:$0x0] =	wrdreg $0x60  }
0xae: {  	[dreg:$0x2] =	wrdreg s24  }
0xaf: {  	[dreg:$0x3] =	wrdreg s2  }
0xb0: {  	[dreg:$0x4] =	wrdreg $0x9  }
0xb1: {  	_ =	task.clear_ibuf [dreg:s7], $0x5FFFF;
	_ =	strace $0x90000046  }
0xb2: {  	s29 =	simm.s32 $0x9;
	_ =	strace $0x80000048  }
0xb3: {  	_ =	swait.ge [sflag:s29], $0x1  }
0xb4: {  	[sflag:s29] =	ssyncadd.s32 $0xFFFFFFFF  }
0xb5: {  	_ =	strace $0x90000048  }
0xb6: {  	_ =	sfence  }
0xb7: {  	s30 =	sld [smem:$0x0];
	_ =	sdelay $0x2  }
0xb8: {  	s31 =	sshll.u32 s1, $0xD;
	s1 =	sshrl.u32 s1, $0x2  }
0xb9: {  	s3 =	sand.u32 $0x4000, s31;
	s1 =	sadd.s32 s1, s30  }
0xba: {  	s0 =	sor.u32 s3, s0;
	s1 =	sshll.u32 s1, $0x11  }
0xbb: {  	s0 =	sor.u32 s1, s0  }
0xbc: {  	s0 =	sadd.s32 $0x8F2B, s0  }
0xbd: {  	[sflag:s0] =	ssyncadd.remote.s32 $0x1  }
0xbe: {  	_ =	sfence.sel $0xFFFF  }
0xbf: {  	[dreg:$0x0] =	wrdreg $0xFFFFFFFF;
	(pc) =	sbr.abs _section_cstart, $3  }
0xc0: {  	[dreg:$0x1] =	wrdreg $0xFFFFFFFF  }
0xc1: {  	_ =	task.clear_ibuf [dreg:s7], $0x2FFFF;
	_ =	strace $0x9FFFFFFF  }
0xc2: {  	(tm) =	ssettm $0x7FFFFFFF  }
0xc3: {  	_ =	shalt  }
tec
execute0_lowered:
.L_overlay_start_1:
0x0: {  	(tag) =	ssettag $0x1  }
0x1: {  	s0 =	rddreg [dreg:$0x0];
	s1 =	srdreg.scid  }
0x2: {  	s11 =	stileid.u32;
	s5 =	rddreg [dreg:$0x1];
	s2 =	simm.s32 $0x0  }
0x3: {  	s17 =	simm.s32 $0x3;
	s18 =	simm.s32 $0x80;
	s19 =	simm.s32 $0x6400  }
0x4: {  	s20 =	simm.s32 $0xA400;
	s22 =	simm.s32 $0xE400;
	s24 =	simm.s32 $0x12400  }
0x5: {  	s25 =	simm.s32 $0x1;
	s28 =	simm.s32 $0x16400;
	s29 =	simm.s32 $0x2  }
0x6: {  	s21 =	simm.s32 $0x6380;
	s1 =	sand.u32 $0x1, s1;
	s3 =	sshll.u32 s11, $0x1  }
0x7: {  	[smem:$0x7FF] =	sst s2;
	s12 =	smul.u32 $0xC8000, s11;
	s6 =	sor.u32 s1, s3  }
0x8: {  	s23 =	simm.s32 $0x0;
	_ =	strace $0x80000047;
	s7 =	smul.u32 $0x6400, s6  }
0x9: {  	s4 =	ssub.s32 $0x2, s1;
	s3 =	sadd.s32 $0xF42E00, s0;
	s9 =	smul.u32 $0x64000, s6  }
0xa: {  	s0 =	sadd.s32 $0xA00, s0;
	s8 =	sshrl.u32 s4, $0x1;
	s31 =	smul.u32 $0x320000, s6  }
0xb: {  	s1 =	smul.u32 $0x64000, s1;
	s15 =	ssub.s32 s4, s8;
	s7 =	sshrl.u32 s7, $0x3  }
0xc: {  	s4 =	sadd.s32 s0, s9;
	s10 =	sshrl.u32 s31, $0x3;
	s15 =	smax.u32 s15, $0x1  }
0xd: {  	s5 =	sadd.s32 s5, s7;
	s6 =	sadd.s32 $0x800, s4;
	s7 =	sadd.s32 $0x1000, s4  }
0xe: {  	s8 =	sadd.s32 $0x1800, s4;
	s9 =	sadd.s32 $0x2000, s4;
	s14 =	sadd.s32 s0, s10  }
0xf: {  	s0 =	sadd.s32 s12, s0;
	s10 =	sadd.s32 $0x61800, s14;
	s11 =	sadd.s32 $0x62000, s14  }
0x10: {  	s12 =	sadd.s32 $0x62800, s14;
	s13 =	sadd.s32 $0x63000, s14;
	s0 =	sadd.s32 s1, s0  }
0x11: {  	s14 =	sadd.s32 $0x63800, s14;
	s16 =	sadd.s32 $0x4800, s0;
	s0 =	simm.s32 $0x400  }
.LBB2_1:
0x12: {  	[tilespmem:s2], [sflag:$0x3] =	stream.linear.gather [hbm4b:s5+s2], $0x6400, $0x38;
	[tilespmem:$0x1A400] =	vst v63  }
0x13: {  	_ =	swait.ge [sflag:s17], $0x6400  }
0x14: {  	[sflag:s17] =	ssyncset.done $0x0  }
0x15: {  	[sflag:s17] =	ssyncadd.s32 $0xFFFF9C00  }
0x16: {  	[tilespmem:s19], [sflag:$0x1] =	stream.indirect.gather [hbm4b:s3+s18], $0x80, s2, s18, $0xb8;
	[tilespmem:$0x1A400] =	vst v63  }
0x17: {  	_ = 	snop  }
0x18: {  	[tilespmem:s20], [sflag:$0x1] =	stream.indirect.gather [hbm4b:s3+s18], $0x80, s18, s18, $0xb8;
	[tilespmem:$0x1A400] =	vst v63  }
0x19: {  	s1 =	simm.s32 $0x100  }
0x1a: {  	[tilespmem:s22], [sflag:$0x1] =	stream.indirect.gather [hbm4b:s3+s18], $0x80, s1, s18, $0xb8;
	[tilespmem:$0x1A400] =	vst v63  }
0x1b: {  	s26 =	simm.s32 $0x180  }
0x1c: {  	[tilespmem:s24], [sflag:$0x1] =	stream.indirect.gather [hbm4b:s3+s18], $0x80, s26, s18, $0xb8;
	[tilespmem:$0x1A400] =	vst v63  }
0x1d: {  	_ =	swait.ge [sflag:s25], $0x4000  }
0x1e: {  	[sflag:s25] =	ssyncset.done $0x0  }
0x1f: {  	[sflag:s25] =	ssyncadd.s32 $0xFFFFC000  }
0x20: {  	[hbm4b:s4+s2] =	stream.linear.scatter [tilespmem:s19], [sflag:$0x2], $0x4000, $0x38;
	[tilespmem:$0x1A400] =	vst v63  }
0x21: {  	s26 =	simm.s32 $0x200  }
0x22: {  	[tilespmem:s28], [sflag:$0x1] =	stream.indirect.gather [hbm4b:s3+s18], $0x80, s26, s18, $0xb8;
	[tilespmem:$0x1A400] =	vst v63  }
0x23: {  	_ =	swait.ge [sflag:s25], $0x4000  }
0x24: {  	[sflag:s25] =	ssyncset.done $0x0  }
0x25: {  	[sflag:s25] =	ssyncadd.s32 $0xFFFFC000  }
0x26: {  	[hbm4b:s6+s2] =	stream.linear.scatter [tilespmem:s20], [sflag:$0x2], $0x4000, $0x38;
	[tilespmem:$0x1A400] =	vst v63  }
0x27: {  	_ =	swait.ge [sflag:s29], $0x4000  }
0x28: {  	[sflag:s29] =	ssyncset.done $0x0  }
0x29: {  	s26 =	simm.s32 $0x280;
	[sflag:s29] =	ssyncadd.s32 $0xFFFFC000  }
0x2a: {  	[tilespmem:s19], [sflag:$0x1] =	stream.indirect.gather [hbm4b:s3+s18], $0x80, s26, s18, $0xb8;
	[tilespmem:$0x1A400] =	vst v63  }
0x2b: {  	_ =	swait.ge [sflag:s25], $0x4000  }
0x2c: {  	[sflag:s25] =	ssyncset.done $0x0  }
0x2d: {  	[sflag:s25] =	ssyncadd.s32 $0xFFFFC000  }
0x2e: {  	[hbm4b:s7+s2] =	stream.linear.scatter [tilespmem:s22], [sflag:$0x2], $0x4000, $0x38;
	[tilespmem:$0x1A400] =	vst v63  }
0x2f: {  	_ =	swait.ge [sflag:s29], $0x4000  }
0x30: {  	[sflag:s29] =	ssyncset.done $0x0  }
0x31: {  	s26 =	simm.s32 $0x300;
	[sflag:s29] =	ssyncadd.s32 $0xFFFFC000  }
0x32: {  	[tilespmem:s20], [sflag:$0x1] =	stream.indirect.gather [hbm4b:s3+s18], $0x80, s26, s18, $0xb8;
	[tilespmem:$0x1A400] =	vst v63  }
0x33: {  	_ =	swait.ge [sflag:s25], $0x4000  }
0x34: {  	[sflag:s25] =	ssyncset.done $0x0  }
0x35: {  	[sflag:s25] =	ssyncadd.s32 $0xFFFFC000  }
0x36: {  	[hbm4b:s8+s2] =	stream.linear.scatter [tilespmem:s24], [sflag:$0x2], $0x4000, $0x38;
	[tilespmem:$0x1A400] =	vst v63  }
0x37: {  	_ =	swait.ge [sflag:s29], $0x4000  }
0x38: {  	[sflag:s29] =	ssyncset.done $0x0  }
0x39: {  	s26 =	simm.s32 $0x380;
	[sflag:s29] =	ssyncadd.s32 $0xFFFFC000  }
0x3a: {  	[tilespmem:s22], [sflag:$0x1] =	stream.indirect.gather [hbm4b:s3+s18], $0x80, s26, s18, $0xb8;
	[tilespmem:$0x1A400] =	vst v63  }
0x3b: {  	_ =	swait.ge [sflag:s25], $0x4000  }
0x3c: {  	[sflag:s25] =	ssyncset.done $0x0  }
0x3d: {  	[sflag:s25] =	ssyncadd.s32 $0xFFFFC000  }
0x3e: {  	[hbm4b:s9+s2] =	stream.linear.scatter [tilespmem:s28], [sflag:$0x2], $0x4000, $0x38;
	[tilespmem:$0x1A400] =	vst v63  }
0x3f: {  	_ =	swait.ge [sflag:s29], $0x4000  }
0x40: {  	[sflag:s29] =	ssyncset.done $0x0  }
0x41: {  	[sflag:s29] =	ssyncadd.s32 $0xFFFFC000  }
0x42: {  	[tilespmem:s24], [sflag:$0x1] =	stream.indirect.gather [hbm4b:s3+s18], $0x80, s0, s18, $0xb8;
	[tilespmem:$0x1A400] =	vst v63  }
0x43: {  	_ =	swait.ge [sflag:s25], $0x4000  }
0x44: {  	[sflag:s25] =	ssyncset.done $0x0  }
0x45: {  	s26 =	sadd.s32 $0xFFFFE000, s16;
	[sflag:s25] =	ssyncadd.s32 $0xFFFFC000  }
0x46: {  	[hbm4b:s26+s2] =	stream.linear.scatter [tilespmem:s19], [sflag:$0x2], $0x4000, $0x38;
	[tilespmem:$0x1A400] =	vst v63  }
0x47: {  	_ =	swait.ge [sflag:s29], $0x4000  }
0x48: {  	[sflag:s29] =	ssyncset.done $0x0  }
0x49: {  	s1 =	simm.s32 $0x480;
	[sflag:s29] =	ssyncadd.s32 $0xFFFFC000  }
0x4a: {  	[tilespmem:s28], [sflag:$0x1] =	stream.indirect.gather [hbm4b:s3+s18], $0x80, s1, s18, $0xb8;
	[tilespmem:$0x1A400] =	vst v63  }
0x4b: {  	_ =	swait.ge [sflag:s25], $0x4000  }
0x4c: {  	[sflag:s25] =	ssyncset.done $0x0  }
0x4d: {  	s1 =	sadd.s32 $0xFFFFE800, s16;
	[sflag:s25] =	ssyncadd.s32 $0xFFFFC000  }
0x4e: {  	[hbm4b:s1+s2] =	stream.linear.scatter [tilespmem:s20], [sflag:$0x2], $0x4000, $0x38;
	[tilespmem:$0x1A400] =	vst v63  }
0x4f: {  	_ =	swait.ge [sflag:s29], $0x4000  }
0x50: {  	[sflag:s29] =	ssyncset.done $0x0  }
0x51: {  	s1 =	simm.s32 $0x500;
	[sflag:s29] =	ssyncadd.s32 $0xFFFFC000  }
0x52: {  	[tilespmem:s19], [sflag:$0x1] =	stream.indirect.gather [hbm4b:s3+s18], $0x80, s1, s18, $0xb8;
	[tilespmem:$0x1A400] =	vst v63  }
0x53: {  	_ =	swait.ge [sflag:s25], $0x4000  }
0x54: {  	[sflag:s25] =	ssyncset.done $0x0  }
0x55: {  	s1 =	sadd.s32 $0xFFFFF000, s16;
	[sflag:s25] =	ssyncadd.s32 $0xFFFFC000  }
0x56: {  	[hbm4b:s1+s2] =	stream.linear.scatter [tilespmem:s22], [sflag:$0x2], $0x4000, $0x38;
	[tilespmem:$0x1A400] =	vst v63  }
0x57: {  	_ =	swait.ge [sflag:s29], $0x4000  }
0x58: {  	[sflag:s29] =	ssyncset.done $0x0  }
0x59: {  	s1 =	simm.s32 $0x580;
	[sflag:s29] =	ssyncadd.s32 $0xFFFFC000  }
0x5a: {  	[tilespmem:s20], [sflag:$0x1] =	stream.indirect.gather [hbm4b:s3+s18], $0x80, s1, s18, $0xb8;
	[tilespmem:$0x1A400] =	vst v63  }
0x5b: {  	_ =	swait.ge [sflag:s25], $0x4000  }
0x5c: {  	[sflag:s25] =	ssyncset.done $0x0  }
0x5d: {  	s1 =	sadd.s32 $0xFFFFF800, s16;
	[sflag:s25] =	ssyncadd.s32 $0xFFFFC000  }
0x5e: {  	[hbm4b:s1+s2] =	stream.linear.scatter [tilespmem:s24], [sflag:$0x2], $0x4000, $0x38;
	[tilespmem:$0x1A400] =	vst v63  }
0x5f: {  	_ =	swait.ge [sflag:s29], $0x4000  }
0x60: {  	[sflag:s29] =	ssyncset.done $0x0  }
0x61: {  	s1 =	simm.s32 $0x600;
	[sflag:s29] =	ssyncadd.s32 $0xFFFFC000  }
0x62: {  	[tilespmem:s22], [sflag:$0x1] =	stream.indirect.gather [hbm4b:s3+s18], $0x80, s1, s18, $0xb8;
	[tilespmem:$0x1A400] =	vst v63  }
0x63: {  	_ =	swait.ge [sflag:s25], $0x4000  }
0x64: {  	[sflag:s25] =	ssyncset.done $0x0  }
0x65: {  	[sflag:s25] =	ssyncadd.s32 $0xFFFFC000  }
0x66: {  	[hbm4b:s16+s2] =	stream.linear.scatter [tilespmem:s28], [sflag:$0x2], $0x4000, $0x38;
	[tilespmem:$0x1A400] =	vst v63  }
0x67: {  	_ =	swait.ge [sflag:s29], $0x4000  }
0x68: {  	s31 =	simm.s32 $0x680;
	[sflag:s29] =	ssyncset.done $0x0  }
0x69: {  	s30 =	sadd.s32 $0x2800, s16;
	s26 =	simm.s32 $0xA00;
	[sflag:s29] =	ssyncadd.s32 $0xFFFFC000  }
.LBB2_2:
0x6a: {  	[tilespmem:s24], [sflag:$0x1] =	stream.indirect.gather [hbm4b:s3+s18], $0x80, s31, s18, $0xb8;
	[tilespmem:$0x1A400] =	vst v63  }
0x6b: {  	s31 =	smov.u32 s26  }
0x6c: {  	p0 =	sne.s32 s26, $0x17200;
	s26 =	sadd.s32 $0xA00, s26;
	_ =	swait.ge [sflag:s25], $0x4000  }
0x6d: {  	[sflag:s25] =	ssyncset.done $0x0  }
0x6e: {  	s1 =	sadd.s32 $0xFFFFE000, s30;
	[sflag:s25] =	ssyncadd.s32 $0xFFFFC000  }
0x6f: {  	[hbm4b:s1+s2] =	stream.linear.scatter [tilespmem:s19], [sflag:$0x2], $0x4000, $0x38;
	[tilespmem:$0x1A400] =	vst v63  }
0x70: {  	_ =	swait.ge [sflag:s29], $0x4000  }
0x71: {  	s31 =	sshra.s32 s31, $0x2;
	[sflag:s29] =	ssyncset.done $0x0  }
0x72: {  	s1 =	sadd.s32 $0x480, s31;
	[sflag:s29] =	ssyncadd.s32 $0xFFFFC000  }
0x73: {  	[tilespmem:s28], [sflag:$0x1] =	stream.indirect.gather [hbm4b:s3+s18], $0x80, s1, s18, $0xb8;
	[tilespmem:$0x1A400] =	vst v63  }
0x74: {  	_ =	swait.ge [sflag:s25], $0x4000  }
0x75: {  	[sflag:s25] =	ssyncset.done $0x0  }
0x76: {  	s1 =	sadd.s32 $0xFFFFE800, s30;
	[sflag:s25] =	ssyncadd.s32 $0xFFFFC000  }
0x77: {  	[hbm4b:s1+s2] =	stream.linear.scatter [tilespmem:s20], [sflag:$0x2], $0x4000, $0x38;
	[tilespmem:$0x1A400] =	vst v63  }
0x78: {  	_ =	swait.ge [sflag:s29], $0x4000  }
0x79: {  	[sflag:s29] =	ssyncset.done $0x0  }
0x7a: {  	s1 =	sadd.s32 $0x500, s31;
	[sflag:s29] =	ssyncadd.s32 $0xFFFFC000  }
0x7b: {  	[tilespmem:s19], [sflag:$0x1] =	stream.indirect.gather [hbm4b:s3+s18], $0x80, s1, s18, $0xb8;
	[tilespmem:$0x1A400] =	vst v63  }
0x7c: {  	_ =	swait.ge [sflag:s25], $0x4000  }
0x7d: {  	[sflag:s25] =	ssyncset.done $0x0  }
0x7e: {  	s1 =	sadd.s32 $0xFFFFF000, s30;
	[sflag:s25] =	ssyncadd.s32 $0xFFFFC000  }
0x7f: {  	[hbm4b:s1+s2] =	stream.linear.scatter [tilespmem:s22], [sflag:$0x2], $0x4000, $0x38;
	[tilespmem:$0x1A400] =	vst v63  }
0x80: {  	_ =	swait.ge [sflag:s29], $0x4000  }
0x81: {  	[sflag:s29] =	ssyncset.done $0x0  }
0x82: {  	s1 =	sadd.s32 $0x580, s31;
	[sflag:s29] =	ssyncadd.s32 $0xFFFFC000  }
0x83: {  	[tilespmem:s20], [sflag:$0x1] =	stream.indirect.gather [hbm4b:s3+s18], $0x80, s1, s18, $0xb8;
	[tilespmem:$0x1A400] =	vst v63  }
0x84: {  	_ =	swait.ge [sflag:s25], $0x4000  }
0x85: {  	[sflag:s25] =	ssyncset.done $0x0  }
0x86: {  	s1 =	sadd.s32 $0xFFFFF800, s30;
	[sflag:s25] =	ssyncadd.s32 $0xFFFFC000  }
0x87: {  	[hbm4b:s1+s2] =	stream.linear.scatter [tilespmem:s24], [sflag:$0x2], $0x4000, $0x38;
	[tilespmem:$0x1A400] =	vst v63  }
0x88: {  	_ =	swait.ge [sflag:s29], $0x4000  }
0x89: {  	[sflag:s29] =	ssyncset.done $0x0  }
0x8a: {  	s1 =	sadd.s32 $0x600, s31;
	[sflag:s29] =	ssyncadd.s32 $0xFFFFC000  }
0x8b: {  	[tilespmem:s22], [sflag:$0x1] =	stream.indirect.gather [hbm4b:s3+s18], $0x80, s1, s18, $0xb8;
	[tilespmem:$0x1A400] =	vst v63  }
0x8c: {  	_ =	swait.ge [sflag:s25], $0x4000  }
0x8d: {  	[sflag:s25] =	ssyncset.done $0x0  }
.Ltmp0:
0x8e: {  	[sflag:s25] =	ssyncadd.s32 $0xFFFFC000;
	(pc) =	sbr.rel @p0 .LBB2_2-.Ltmp0, $4  }
0x8f: {  	[hbm4b:s30+s2] =	stream.linear.scatter [tilespmem:s28], [sflag:$0x2], $0x4000, $0x38;
	[tilespmem:$0x1A400] =	vst v63  }
0x90: {  	_ =	swait.ge [sflag:s29], $0x4000  }
0x91: {  	[sflag:s29] =	ssyncset.done $0x0  }
0x92: {  	s31 =	sadd.s32 $0x680, s31;
	s30 =	sadd.s32 $0x2800, s30;
	[sflag:s29] =	ssyncadd.s32 $0xFFFFC000  }
0x93: {  	[tilespmem:s24], [sflag:$0x1] =	stream.indirect.gather [hbm4b:s3+s18], $0x80, s31, s18, $0xb8;
	[tilespmem:$0x1A400] =	vst v63  }
0x94: {  	_ =	swait.ge [sflag:s25], $0x4000  }
0x95: {  	[sflag:s25] =	ssyncset.done $0x0  }
0x96: {  	[sflag:s25] =	ssyncadd.s32 $0xFFFFC000  }
0x97: {  	[hbm4b:s10+s2] =	stream.linear.scatter [tilespmem:s19], [sflag:$0x2], $0x4000, $0x38;
	[tilespmem:$0x1A400] =	vst v63  }
0x98: {  	_ =	swait.ge [sflag:s29], $0x4000  }
0x99: {  	[sflag:s29] =	ssyncset.done $0x0  }
0x9a: {  	[sflag:s29] =	ssyncadd.s32 $0xFFFFC000  }
0x9b: {  	[tilespmem:s28], [sflag:$0x1] =	stream.indirect.gather [hbm4b:s3+s18], $0x80, s21, s18, $0xb8;
	[tilespmem:$0x1A400] =	vst v63  }
0x9c: {  	_ =	swait.ge [sflag:s25], $0x4000  }
0x9d: {  	[sflag:s25] =	ssyncset.done $0x0  }
0x9e: {  	[sflag:s25] =	ssyncadd.s32 $0xFFFFC000  }
0x9f: {  	[hbm4b:s11+s2] =	stream.linear.scatter [tilespmem:s20], [sflag:$0x2], $0x4000, $0x38;
	[tilespmem:$0x1A400] =	vst v63  }
0xa0: {  	_ =	swait.ge [sflag:s29], $0x4000  }
0xa1: {  	[sflag:s29] =	ssyncset.done $0x0  }
0xa2: {  	[sflag:s29] =	ssyncadd.s32 $0xFFFFC000  }
0xa3: {  	_ =	swait.ge [sflag:s25], $0x4000  }
0xa4: {  	[sflag:s25] =	ssyncset.done $0x0  }
0xa5: {  	[sflag:s25] =	ssyncadd.s32 $0xFFFFC000  }
0xa6: {  	[hbm4b:s12+s2] =	stream.linear.scatter [tilespmem:s22], [sflag:$0x2], $0x4000, $0x38;
	[tilespmem:$0x1A400] =	vst v63  }
0xa7: {  	_ =	swait.ge [sflag:s29], $0x4000  }
0xa8: {  	[sflag:s29] =	ssyncset.done $0x0  }
0xa9: {  	[sflag:s29] =	ssyncadd.s32 $0xFFFFC000  }
0xaa: {  	_ =	swait.ge [sflag:s25], $0x4000  }
0xab: {  	[sflag:s25] =	ssyncset.done $0x0  }
0xac: {  	[sflag:s25] =	ssyncadd.s32 $0xFFFFC000  }
0xad: {  	[hbm4b:s13+s2] =	stream.linear.scatter [tilespmem:s24], [sflag:$0x2], $0x4000, $0x38;
	[tilespmem:$0x1A400] =	vst v63  }
0xae: {  	_ =	swait.ge [sflag:s29], $0x4000  }
0xaf: {  	[sflag:s29] =	ssyncset.done $0x0  }
0xb0: {  	[sflag:s29] =	ssyncadd.s32 $0xFFFFC000  }
0xb1: {  	_ =	swait.ge [sflag:s25], $0x4000  }
0xb2: {  	[sflag:s25] =	ssyncset.done $0x0  }
0xb3: {  	s23 =	sadd.s32 $0x1, s23;
	[sflag:s25] =	ssyncadd.s32 $0xFFFFC000  }
0xb4: {  	[hbm4b:s14+s2] =	stream.linear.scatter [tilespmem:s28], [sflag:$0x2], $0x4000, $0x38;
	[tilespmem:$0x1A400] =	vst v63  }
0xb5: {  	p0 =	sne.s32 s23, s15;
	_ =	swait.ge [sflag:s29], $0x4000  }
.Ltmp1:
0xb6: {  	[sflag:s29] =	ssyncset.done $0x0;
	(pc) =	sbr.rel @p0 .LBB2_1-.Ltmp1, $4  }
0xb7: {  	[sflag:s29] =	ssyncadd.s32 $0xFFFFC000  }
0xb8: {  	_ =	swait.ge [sflag:s29], $0x4000  }
0xb9: {  	[sflag:s29] =	ssyncset.done $0x0  }
0xba: {  	[sflag:s29] =	ssyncadd.s32 $0xFFFFC000  }
0xbb: {  	_ =	sfence.sel $0x180000  }
0xbc: {  	[bflag:$0x0] =	sbarrier.arrive $0xFFFF  }
0xbd: {  	_ =	strace $0x90000047  }
0xbe: {  	s0 =	stileid.u32;
	[bflag:$0x2] =	sbarrier.arrive $0xFFFF  }
0xbf: {  	p0 =	sne.s32 s0, $0x0;
	s0 =	rddreg [dreg:$0x2]  }
0xc0: {  	s0 =	sadd.s32 @!p0 $0x100000, s0  }
0xc1: {  	[sflag:s0] =	ssyncadd.tile.s32 @!p0 $0x1;
	_ =	shalt  }
.Lfunc_end2:
_tile_overlayer_lowered:
.L_overlay_start_2:
0xc2: {  	(tag) =	ssettag $0x2  }
0xc3: {  	s0 =	rddreg [dreg:$0x0];
	s2 =	stileid.u32  }
0xc4: {  	s1 =	rddreg [dreg:$0x1];
	p0 =	sne.s32 s2, $0x0  }
0xc5: {  	s3 =	rddreg [dreg:$0x2];
	[bflag:$0x3] =	sbarrier.arrive $0xFFFF;
	s2 =	simm.s32 @!p0 $0x1C03  }
0xc6: {  	[timem:s3], [sflag:s2] =	dma.local @!p0 [hbm:s0], s1  }
0xc7: {  	s0 =	simm.s32 @!p0 $0x3  }
0xc8: {  	_ =	swait.ge @!p0 [sflag:s0], s1  }
0xc9: {  	s1 =	ssub.s32 @!p0 $0x0, s1;
	[sflag:s0] =	ssyncset.done @!p0 $0x0  }
0xca: {  	[sflag:s0] =	ssyncadd.s32 @!p0 s1  }
0xcb: {  	[bflag:$0x3] =	sbarrier.arrive $0xFFFF  }
0xcc: {  	_ =	shalt  }

// kernel: sparse-core-data-format-call.cloned.1.call-start
scs
called_computation_lowered:
.L_overlay_start_0:
0x0: {  	s2 =	sld [smem:$0x3FD9]  }
0x1: {  	s3 =	sld [smem:$0x3FFE];
	_ =	sdelay $0x1  }
0x2: {  	s1 =	srdreg.scid  }
0x3: {  	s0 =	sand.u32 $0x1, s1  }
0x4: {  	s18 =	sshll.u32 s0, $0xA;
	s2 =	sadd.s32 s3, s2  }
0x5: {  	s2 =	sadd.s32 s2, s18  }
0x6: {  	[smem:$0x3FC6] =	sst s2  }
0x7: {  	_ = 	snop  }
0x8: {  	s2 =	sld [smem:$0x3FD0];
	(tm) =	ssettm $0x1  }
0x9: {  	s19 =	sld [smem:$0x3FFB];
	_ =	sdelay $0x3  }
0xa: {  	_ =	strace s19  }
0xb: {  	s3 =	sld [smem:$0x3FFC];
	_ =	sdelay $0x3  }
0xc: {  	_ =	strace s3  }
0xd: {  	s3 =	sld [smem:$0x3FFD];
	_ =	sdelay $0x3  }
0xe: {  	_ =	strace s3  }
0xf: {  	_ =	strace $0x8FFFFFFF  }
0x10: {  	s20 =	sld [smem:$0x3FDB];
	_ =	sdelay $0x1  }
0x11: {  	s4 =	simm.s32 $_scs_section_size  }
0x12: {  	s5 =	simm.s32 $_size__tile_overlayer_lowered;
	s6 =	simm.s32 $_tile_overlayer_lowered  }
0x13: {  	s23 =	simm.s32 $0x1BFF;
	s22 =	sshll.u32 s6, $0x1;
	s3 =	sadd.s32 s4, s20  }
0x14: {  	s7 =	simm.s32 $0x0;
	s21 =	sshll.u32 s5, $0x1;
	s5 =	sadd.s32 s22, s3  }
0x15: {  	[timem:s7], [sflag:s23] =	dma.local [hbm:s5], s21  }
0x16: {  	_ =	swait.ge [sflag:s23], s21  }
0x17: {  	s4 =	ssub.s32 $0x0, s21;
	[sflag:s23] =	ssyncset.done $0x0  }
0x18: {  	[sflag:s23] =	ssyncadd.s32 s4;
	_ =	sdelay $0x1  }
0x19: {  	s24 =	simm.s32 $0x1B8B  }
0x1a: {  	_ =	swait.ge [sflag:s24], $0x1  }
0x1b: {  	[sflag:s24] =	ssyncset.done $0x0  }
0x1c: {  	s26 =	simm.s32 $0x1B8E;
	s25 =	sld [smem:$0x3FFE];
	[sflag:s24] =	ssyncadd.s32 $0xFFFFFFFF  }
0x1d: {  	s27 =	simm.s32 $execute0_lowered;
	[smem:$0x3FD2] =	sst s26  }
0x1e: {  	s5 =	sshll.u32 s27, $0x1;
	_ =	strace $0x80000049;
	[dreg:$0x1] =	wrdreg $0xFFFFFFFF  }
0x1f: {  	s28 =	simm.s32 $_size_execute0_lowered;
	s3 =	sadd.s32 s3, s5;
	[dreg:$0x0] =	wrdreg $0x0  }
0x20: {  	s5 =	sshll.u32 s28, $0x1;
	[dreg:$0x2] =	wrdreg s3  }
0x21: {  	[dreg:$0x3] =	wrdreg s5  }
0x22: {  	[dreg:$0x4] =	wrdreg $0xC0  }
0x23: {  	_ =	task [dreg:s7], $0x5FFFF  }
0x24: {  	[dreg:$0x1] =	wrdreg $0xFFFFFFFF  }
0x25: {  	[dreg:$0x0] =	wrdreg $0x60  }
0x26: {  	[dreg:$0x2] =	wrdreg s25  }
0x27: {  	[dreg:$0x3] =	wrdreg s2  }
0x28: {  	[dreg:$0x4] =	wrdreg $0x9  }
0x29: {  	_ =	task.clear_ibuf [dreg:s7], $0x5FFFF;
	_ =	strace $0x90000049  }
0x2a: {  	s29 =	simm.s32 $0x9;
	_ =	strace $0x8000004B  }
0x2b: {  	_ =	swait.ge [sflag:s29], $0x1  }
0x2c: {  	[sflag:s29] =	ssyncadd.s32 $0xFFFFFFFF  }
0x2d: {  	_ =	strace $0x9000004B  }
0x2e: {  	_ =	sfence  }
0x2f: {  	s30 =	sld [smem:$0x0];
	_ =	sdelay $0x2  }
0x30: {  	s31 =	sshll.u32 s1, $0xD;
	s1 =	sshrl.u32 s1, $0x2  }
0x31: {  	s3 =	sand.u32 $0x4000, s31;
	s1 =	sadd.s32 s1, s30  }
0x32: {  	s0 =	sor.u32 s3, s0;
	s1 =	sshll.u32 s1, $0x11  }
0x33: {  	s0 =	sor.u32 s1, s0  }
0x34: {  	s0 =	sadd.s32 $0x8F2B, s0  }
0x35: {  	[sflag:s0] =	ssyncadd.remote.s32 $0x1  }
0x36: {  	_ =	sfence.sel $0xFFFF  }
0x37: {  	[dreg:$0x0] =	wrdreg $0xFFFFFFFF;
	(pc) =	sbr.abs _section_cstart, $3  }
0x38: {  	[dreg:$0x1] =	wrdreg $0xFFFFFFFF  }
0x39: {  	_ =	task.clear_ibuf [dreg:s7], $0x2FFFF;
	_ =	strace $0x9FFFFFFF  }
0x3a: {  	(tm) =	ssettm $0x7FFFFFFF  }
0x3b: {  	_ =	shalt  }
tec
execute0_lowered:
.L_overlay_start_1:
0x0: {  	(tag) =	ssettag $0x1  }
0x1: {  	s0 =	srdreg.scid  }
0x2: {  	s1 =	sshll.u32 s0, $0x4  }
0x3: {  	s0 =	stileid.u32;
	s1 =	sand.u32 $0x10, s1  }
0x4: {  	s1 =	sor.u32 s0, s1  }
0x5: {  	s6 =	rddreg [dreg:$0x0];
	s4 =	simm.s32 $0x1;
	s2 =	sshll.u32 s1, $0x7  }
0x6: {  	s7 =	simm.s32 $0x2;
	s12 =	simm.s32 $0x0;
	s1 =	ssub.s32 $0x1000, s2  }
0x7: {  	s8 =	simm.s32 $0x8000;
	s13 =	simm.s32 $0x0;
	s3 =	sand.u32 $0xF80, s1  }
0x8: {  	s9 =	simm.s32 $0x0;
	s5 =	sshrl.u32 s1, $0xC;
	p0 =	sne.s32 s3, $0x0  }
.Ltmp0:
0x9: {  	s1 =	rddreg [dreg:$0x2];
	s4 =	simm.s32 @!p0 $0x0;
	(pc) =	sbr.rel .LBB1_1-.Ltmp0, $4  }
0xa: {  	s11 =	simm.s32 $0x0;
	s3 =	rddreg [dreg:$0x1];
	s5 =	sadd.s32 s4, s5  }
0xb: {  	_ =	strace $0x8000004A;
	s4 =	simm.s32 $0x1;
	s5 =	smul.u32 $0xC8, s5  }
0xc: {  	s6 =	sadd.s32 $0xA00, s6;
	s10 =	smov.u32 s2;
	[sflag:s4] =	ssyncpa.u1 $0x0  }
0xd: {  	p0 =	por $0x0, $0x0;
	[sflag:s7] =	ssyncpa.u1 $0x0;
	s7 =	sor.u32 $0x1, s5  }
.LBB1_4:
0xe: {  	s16 =	sshll.u32 s13, $0x3;
	s17 =	sand.u32 $0x78, s13  }
0xf: {  	s30 =	sand.u32 $0x7E00, s13;
	s12 =	sshll.u32 s12, $0xF;
	s16 =	sand.u32 $0xC00, s16  }
0x10: {  	[tilespmem:s15+$0x810 ss:$0x81] =	vst.msk $0xffff, v2;
	s31 =	sand.u32 $0x7, s13;
	s16 =	sor.u32 s17, s16;
	s17 =	sadd.s32 s3, s30  }
0x11: {  	[tilespmem:s15+$0x1020 ss:$0x81] =	vst.msk $0xffff, v0;
	s13 =	sshll.u32 s31, $0x12;
	s12 =	sadd.s32 s12, s17;
	s16 =	sshrl.u32 s16, $0x3  }
0x12: {  	[tilespmem:s15+$0x0 ss:$0x81] =	vst.msk $0xffff, v1;
	s13 =	sor.u32 $0x400, s13;
	s12 =	sadd.s32 s16, s12  }
0x13: {  	[hbm4b:s12+s13] =	stream.strided.scatter [tilespmem:s14], [sflag:$0x2], $0x2000, s8, s13, $0x20;
	[tilespmem:$0x8080] =	vst v63  }
.LBB1_5:
0x14: {  	s14 =	sadd.s32 $0x1, s9  }
0x15: {  	s12 =	sadd.s32 $0x1000, s10;
	s16 =	smov.u32 s10;
	p2 =	sgt.s32 s14, $0xC7  }
0x16: {  	s16 =	smov.u32 @p2 s12  }
0x17: {  	s14 =	simm.s32 @p2 $0x0;
	p2 =	sgt.s32 s16, $0xFFF  }
0x18: {  	s16 =	smov.u32 @p2 s2;
	p2 =	sne.s32 s11, s7  }
.Ltmp1:
0x19: {  	p1 =	slt.u32 s11, $0x2;
	(pc) =	sbr.rel @!p2 .LBB1_6-.Ltmp1, $4  }
0x1a: {  	s15 =	simm.s32 @!p1 $0x2  }
0x1b: {  	s13 =	smov.u32 s10;
	p0 =	por !p0, !p0;
	_ =	swait.ge @!p1 [sflag:s15], $0x2000  }
0x1c: {  	s12 =	smov.u32 s9;
	[sflag:s15] =	ssyncset.done @!p1 $0x0;
	s9 =	smov.u32 s14  }
0x1d: {  	s11 =	sadd.s32 $0x1, s11;
	[sflag:s15] =	ssyncadd.s32 @!p1 $0xFFFFE000;
	s10 =	smov.u32 s16  }
.LBB1_1:
0x1e: {  	p1 =	sge.u32 s11, s5  }
0x1f: {  	s14 =	sand.u32 @!p1 $0x1FFFFFF, s9  }
0x20: {  	s15 =	smulhi.u32 @!p1 $0x147AE15, s14;
	_ =	sdelay $0x1  }
0x21: {  	s15 =	smul.u32 @!p1 $0xC8, s15  }
0x22: {  	s16 =	sxor.u32 @!p1 $0xFFFFFFFF, s11;
	s17 =	smul.u32 @!p1 $0xC80, s10  }
0x23: {  	s31 =	sadd.s32 $0xFFFFFFFF, s11;
	s16 =	sshll.u32 @!p1 s16, $0xD;
	s14 =	ssub.s32 @!p1 s14, s15  }
0x24: {  	s15 =	sand.u32 @!p1 $0x2000, s16;
	s16 =	sadd.s32 @!p1 s6, s17;
	s14 =	sshll.u32 @!p1 s14, $0x4  }
0x25: {  	s17 =	simm.s32 @!p1 $0x6400;
	s14 =	sadd.s32 @!p1 s14, s16;
	s16 =	simm.s32 @!p1 $0x40  }
0x26: {  	[tilespmem:s15], [sflag:$0x1] =	stream.strided.gather @!p1 [hbm4b:s14+s16], $0x2000, s17, s16, $0x38;
	[tilespmem:$0x8080] =	vst v63  }
0x27: {  	p1 =	sge.u32 s31, s5  }
.Ltmp2:
0x28: {  	_ = 	snop;
	(pc) =	sbr.rel @p1 .LBB1_5-.Ltmp2, $1  }
0x29: {  	_ =	sdelay $0x3  }
0x2a: {  	s14 =	simm.s32 $0x1  }
0x2b: {  	_ =	swait.ge [sflag:s4], $0x2000;
	s14 =	simm.s32 @!p0 $0x0  }
0x2c: {  	[sflag:s4] =	ssyncset.done $0x0;
	s15 =	sshll.u32 s14, $0xD  }
0x2d: {  	[sflag:s4] =	ssyncadd.s32 $0xFFFFE000;
	s18 =	sor.u32 $0x20, s15  }
0x2e: {  	s14 =	smul.u32 $0x8100, s14;
	v3 =	vld [tilespmem:s18+$0x10]  }
0x2f: {  	s30 =	sand.u32 $0x1, s11;
	v2 =	vld [tilespmem:s18+$0xFFFFFFF0]  }
0x30: {  	s15 =	smul.u32 $0x8100, s30;
	s14 =	sshrl.u32 s14, $0x2;
	v0 =	vld [tilespmem:s18+$0x0]  }
0x31: {  	v1 =	vld [tilespmem:s18+$0xFFFFFFE0];
	s16 =	sor.u32 $0x4000, s14  }
0x32: {  	s31 =	sshrl.u32 s15, $0x2;
	s15 =	sadd.s32 $0x0, s16  }
0x33: {  	s17 =	simm.s32 $0x4;
	s18 =	sadd.s32 $0x40, s18;
	s14 =	sor.u32 $0x4000, s31;
	[tilespmem:s15+$0x1830 ss:$0x81] =	vst.msk $0xffff, v3  }
.LBB1_3:
0x34: {  	v3 =	vld [tilespmem:s18+$0x10];
	p1 =	sne.s32 s17, $0x1FC;
	[tilespmem:s15+$0x810 ss:$0x81] =	vst.msk $0xffff, v2;
	s19 =	smov.u32 s17;
	s17 =	sadd.s32 $0x4, s17  }
.Ltmp3:
0x35: {  	v2 =	vld [tilespmem:s18+$0xFFFFFFF0];
	[tilespmem:s15+$0x1020 ss:$0x81] =	vst.msk $0xffff, v0;
	(pc) =	sbr.rel @p1 .LBB1_3-.Ltmp3, $4  }
0x36: {  	v0 =	vld [tilespmem:s18+$0x0];
	[tilespmem:s15+$0x0 ss:$0x81] =	vst.msk $0xffff, v1  }
0x37: {  	s15 =	sshra.s32 s19, $0x2;
	v1 =	vld [tilespmem:s18+$0xFFFFFFE0]  }
0x38: {  	s15 =	sadd.s32 s15, s16  }
0x39: {  	s18 =	sadd.s32 $0x40, s18;
	[tilespmem:s15+$0x1830 ss:$0x81] =	vst.msk $0xffff, v3  }
.Ltmp4:
0x3a: {  	_ = 	snop;
	(pc) =	sbr.rel .LBB1_4-.Ltmp4, $1  }
0x3b: {  	_ =	sdelay $0x3  }
.LBB1_6:
0x3c: {  	_ =	sfence.sel $0x180000  }
0x3d: {  	s2 =	simm.s32 $0x1;
	[bflag:$0x0] =	sbarrier.arrive $0xFFFF  }
0x3e: {  	s31 =	simm.s32 $0x2;
	[sflag:s2] =	ssyncpa.u1 $0x1  }
0x3f: {  	[sflag:s31] =	ssyncpa.u1 $0x1  }
0x40: {  	p0 =	sne.s32 s0, $0x0;
	_ =	strace $0x9000004A  }
0x41: {  	s0 =	sadd.s32 @!p0 $0x100000, s1;
	[bflag:$0x2] =	sbarrier.arrive $0xFFFF  }
0x42: {  	[sflag:s0] =	ssyncadd.tile.s32 @!p0 $0x1;
	_ =	shalt  }
.Lfunc_end1:
_tile_overlayer_lowered:
.L_overlay_start_2:
0x43: {  	(tag) =	ssettag $0x2  }
0x44: {  	s0 =	rddreg [dreg:$0x0];
	s2 =	stileid.u32  }
0x45: {  	s1 =	rddreg [dreg:$0x1];
	p0 =	sne.s32 s2, $0x0  }
0x46: {  	s3 =	rddreg [dreg:$0x2];
	[bflag:$0x3] =	sbarrier.arrive $0xFFFF;
	s2 =	simm.s32 @!p0 $0x1C01  }
0x47: {  	[timem:s3], [sflag:s2] =	dma.local @!p0 [hbm:s0], s1  }
0x48: {  	s0 =	simm.s32 @!p0 $0x1  }
0x49: {  	_ =	swait.ge @!p0 [sflag:s0], s1  }
0x4a: {  	s1 =	ssub.s32 @!p0 $0x0, s1;
	[sflag:s0] =	ssyncset.done @!p0 $0x0  }
0x4b: {  	[sflag:s0] =	ssyncadd.s32 @!p0 s1  }
0x4c: {  	[bflag:$0x3] =	sbarrier.arrive $0xFFFF  }
0x4d: {  	_ =	shalt  }

</sc_bundles>
